<compile_context>
chip_gen: v7x
topology: tpu7x:2x2x1
jax: 0.10.2.dev20260603
libtpu: 0.0.44.dev20260713+nightly
codegen_flags: <defaults>
</compile_context>

<pallas_src>
import functools

import jax
import jax.numpy as jnp
from jax import lax
from jax.experimental import pallas as pl
from jax.experimental.pallas import tpu as pltpu
from jax.experimental.pallas import tpu_sc as plsc

B = 4096
VOCAB = 100000
WIDE_DIM = 8
DEEP_DIM = 26
N_WIDE = 2
WD = 16
N_DEEP = 6
DD = 32
N_TAB = N_WIDE + N_DEEP
DEEP_RAW = DEEP_DIM - N_DEEP
WIDE_RAW = WIDE_DIM - N_WIDE
H0, H1 = 256, 128
WIDE_OUT = N_WIDE * WD + WIDE_RAW
ACTION_DIM = 64

NC, NS = 2, 16
NW = NC * NS
LANES = 16

TOTAL_ROWS = N_WIDE * WD + N_DEEP * DD
RPW = TOTAL_ROWS // NW
FR = [0, WD, 2 * WD] + [2 * WD + (i + 1) * DD for i in range(N_DEEP)]


@functools.cache
def _build_gather():
    mesh = plsc.VectorSubcoreMesh(
        core_axis_name="c", subcore_axis_name="s", num_cores=NC, num_subcores=NS
    )
    out_type = (
        [jax.ShapeDtypeStruct((WD, B), jnp.float32)] * N_WIDE
        + [jax.ShapeDtypeStruct((DD, B), jnp.float32)] * N_DEEP
    )
    scratch = [
        pltpu.VMEM((VOCAB,), jnp.float32),
        pltpu.VMEM((B,), jnp.int32),
        pltpu.VMEM((B,), jnp.float32),
        pltpu.SemaphoreType.DMA,
    ]

    @functools.partial(
        pl.kernel, mesh=mesh, out_type=out_type, scratch_types=scratch,
        compiler_params=pltpu.CompilerParams(
            use_tc_tiling_on_sc=True, needs_layout_passes=False,
            skip_device_barrier=True))
    def gather_k(idx8, ewt0, ewt1, edt0, edt1, edt2, edt3, edt4, edt5,
                 gw0, gw1, gd0, gd1, gd2, gd3, gd4, gd5,
                 row_v, idx_v, out_v, sem):
        wid = lax.axis_index("s") * NC + lax.axis_index("c")
        start = wid * RPW
        tabs = [ewt0, ewt1, edt0, edt1, edt2, edt3, edt4, edt5]
        outs = [gw0, gw1, gd0, gd1, gd2, gd3, gd4, gd5]

        for t in range(N_TAB):
            lo, hi = FR[t], FR[t + 1]

            @pl.when((start < hi) & (start + RPW > lo))
            def _(t=t, lo=lo, hi=hi):
                tab, out = tabs[t], outs[t]
                pltpu.sync_copy(idx8.at[t], idx_v)
                k_lo = jnp.maximum(lo - start, 0)
                k_hi = jnp.minimum(hi - start, RPW)

                def row_body(k, _):
                    d = start + k - lo
                    pltpu.async_copy(tab.at[d], row_v, sem).wait()

                    def gath(i, _):
                        s0 = pl.ds(i * 2 * LANES, LANES)
                        s1 = pl.ds(i * 2 * LANES + LANES, LANES)
                        out_v[s0] = plsc.load_gather(row_v, [idx_v[s0]])
                        out_v[s1] = plsc.load_gather(row_v, [idx_v[s1]])
                        return 0

                    lax.fori_loop(0, B // (2 * LANES), gath, 0)
                    pltpu.sync_copy(out_v, out.at[d])
                    return 0

                lax.fori_loop(k_lo, k_hi, row_body, 0)

    return gather_k


BLK = 4096
GRID = B // BLK


def _mlp_body(xt, gw0, gw1, gd0, gd1, gd2, gd3, gd4, gd5,
              w0, b0, w1, b1, wl, bl, out):
    dt = jnp.concatenate(
        [gd0[...], gd1[...], gd2[...], gd3[...], gd4[...], gd5[...],
         xt[WIDE_DIM + N_DEEP:, :]], axis=0)
    h = jnp.dot(w0[...], dt, preferred_element_type=jnp.float32) + b0[...]
    h = jnp.maximum(h, 0.0)
    h = jnp.dot(w1[...], h, preferred_element_type=jnp.float32) + b1[...]
    h = jnp.maximum(h, 0.0)
    wt = jnp.concatenate(
        [gw0[...], gw1[...], xt[N_WIDE:WIDE_DIM, :]], axis=0)
    zt = jnp.concatenate([wt, h], axis=0)
    out[...] = jnp.dot(wl[...], zt, preferred_element_type=jnp.float32) + bl[...]


def _col_spec(d):
    return pl.BlockSpec((d, BLK), lambda i: (0, i))


def _full_spec(shape):
    return pl.BlockSpec(shape, lambda i: (0,) * len(shape))


def _mlp(xt, gws, gds, w0, b0, w1, b1, wl, bl, interpret=False):
    in_specs = (
        [_col_spec(WIDE_DIM + DEEP_DIM)]
        + [_col_spec(WD)] * N_WIDE
        + [_col_spec(DD)] * N_DEEP
        + [_full_spec(w0.shape), _full_spec(b0.shape), _full_spec(w1.shape),
           _full_spec(b1.shape), _full_spec(wl.shape), _full_spec(bl.shape)]
    )
    return pl.pallas_call(
        _mlp_body,
        grid=(GRID,),
        in_specs=in_specs,
        out_specs=_col_spec(ACTION_DIM),
        out_shape=jax.ShapeDtypeStruct((ACTION_DIM, B), jnp.float32),
        interpret=interpret,
    )(xt, *gws, *gds, w0, b0, w1, b1, wl, bl)


def kernel(x, Ew0, Ew1, Ed0, Ed1, Ed2, Ed3, Ed4, Ed5, W0, b0, W1, b1, Wl, bl):
    xt = x.T
    idx8 = jnp.concatenate(
        [xt[0:N_WIDE, :], xt[WIDE_DIM:WIDE_DIM + N_DEEP, :]], axis=0
    ).astype(jnp.int32)
    gathered = _build_gather()(
        idx8, Ew0.T, Ew1.T, Ed0.T, Ed1.T, Ed2.T, Ed3.T, Ed4.T, Ed5.T)
    gws = gathered[:N_WIDE]
    gds = gathered[N_WIDE:]
    out_t = _mlp(xt, gws, gds,
                 W0, b0[:, None], W1, b1[:, None], Wl, bl[:, None])
    return out_t.T

# --- scband reference (transcript-rebuilt; emitter-appended) ---
"""Pipeline reference for scband-wide-deep-87290915324177 (READ-ONLY COPY).

The authoritative reference and input builder live on the scoring server;
editing this copy changes nothing except your own understanding.
"""

import jax, jax.numpy as jnp
import numpy as np

B = 4096
VOCAB = 100000
WIDE_DIM = 8
DEEP_DIM = 26
N_WIDE_EMB = 2
WIDE_EMB_DIM = 16
N_DEEP_EMB = 6
DEEP_EMB_DIM = 32
DEEP_IN = DEEP_DIM - N_DEEP_EMB + N_DEEP_EMB * DEEP_EMB_DIM  # 212
H0, H1 = 256, 128
WIDE_OUT = WIDE_DIM - N_WIDE_EMB + N_WIDE_EMB * WIDE_EMB_DIM  # 38
Z_DIM = WIDE_OUT + H1  # 166
ACTION_DIM = 64


def setup_inputs(seed: int = 0):
    key = jax.random.key(seed)
    ks = jax.random.split(key, 20)
    x = jax.random.randint(ks[0], (B, WIDE_DIM + DEEP_DIM), 0, VOCAB).astype(jnp.float32)
    inp = {"x": x}
    inp["Ew0"] = jax.random.normal(ks[1], (VOCAB, WIDE_EMB_DIM), jnp.float32) * 0.01
    inp["Ew1"] = jax.random.normal(ks[2], (VOCAB, WIDE_EMB_DIM), jnp.float32) * 0.01
    for i in range(N_DEEP_EMB):
        inp["Ed%d" % i] = jax.random.normal(ks[3 + i], (VOCAB, DEEP_EMB_DIM), jnp.float32) * 0.01
    inp["W0"] = jax.random.normal(ks[9], (H0, DEEP_IN), jnp.float32) / np.sqrt(DEEP_IN)
    inp["b0"] = jnp.zeros((H0,), jnp.float32)
    inp["W1"] = jax.random.normal(ks[10], (H1, H0), jnp.float32) / np.sqrt(H0)
    inp["b1"] = jnp.zeros((H1,), jnp.float32)
    inp["Wl"] = jax.random.normal(ks[11], (ACTION_DIM, Z_DIM), jnp.float32) / np.sqrt(Z_DIM)
    inp["bl"] = jnp.zeros((ACTION_DIM,), jnp.float32)
    return inp


def reference(x, Ew0, Ew1, Ed0, Ed1, Ed2, Ed3, Ed4, Ed5, W0, b0, W1, b1, Wl, bl):
    # Index columns: cast to int (non-differentiable), mirrors torch .long()
    xi = jax.lax.stop_gradient(x).astype(jnp.int32)
    wide_in = x[:, :WIDE_DIM]
    deep_in = x[:, WIDE_DIM:]
    # Wide branch: first N_WIDE_EMB columns are embedding ids, rest raw features
    wide_parts = [jnp.take(Ew0, xi[:, 0], axis=0), jnp.take(Ew1, xi[:, 1], axis=0), wide_in[:, N_WIDE_EMB:]]
    after_wide = jnp.concatenate(wide_parts, axis=1)  # [B, 38]
    # Deep branch: first N_DEEP_EMB columns are embedding ids, rest raw features
    Eds = [Ed0, Ed1, Ed2, Ed3, Ed4, Ed5]
    deep_parts = [jnp.take(Eds[i], xi[:, WIDE_DIM + i], axis=0) for i in range(N_DEEP_EMB)]
    deep_parts.append(deep_in[:, N_DEEP_EMB:])
    after_deep = jnp.concatenate(deep_parts, axis=1)  # [B, 212]
    # Deep MLP (nn.Linear uses y = x @ W.T + b), ReLU activations
    h = jax.nn.relu(after_deep @ W0.T + b0)
    h = jax.nn.relu(h @ W1.T + b1)
    z = jnp.concatenate([after_wide, h], axis=1)  # [B, 166]
    out = z @ Wl.T + bl  # [B, 64]
    return out

if __name__ == "__main__":
    import jax
    _d = setup_inputs()
    print(jax.jit(kernel)(*tuple(_d.values())))

</pallas_src>

<mosaic_0001>
#map = affine_map<(d0, d1) -> (0, 0)>
module attributes {stable_mosaic.version = 14 : i64} {
  func.func @gather_k(%arg0: i32, %arg1: i32, %arg2: memref<8x4096xi32, #tpu.memory_space<hbm>>, %arg3: memref<16x100000xf32, #tpu.memory_space<hbm>>, %arg4: memref<16x100000xf32, #tpu.memory_space<hbm>>, %arg5: memref<32x100000xf32, #tpu.memory_space<hbm>>, %arg6: memref<32x100000xf32, #tpu.memory_space<hbm>>, %arg7: memref<32x100000xf32, #tpu.memory_space<hbm>>, %arg8: memref<32x100000xf32, #tpu.memory_space<hbm>>, %arg9: memref<32x100000xf32, #tpu.memory_space<hbm>>, %arg10: memref<32x100000xf32, #tpu.memory_space<hbm>>, %arg11: memref<16x4096xf32, #tpu.memory_space<hbm>>, %arg12: memref<16x4096xf32, #tpu.memory_space<hbm>>, %arg13: memref<32x4096xf32, #tpu.memory_space<hbm>>, %arg14: memref<32x4096xf32, #tpu.memory_space<hbm>>, %arg15: memref<32x4096xf32, #tpu.memory_space<hbm>>, %arg16: memref<32x4096xf32, #tpu.memory_space<hbm>>, %arg17: memref<32x4096xf32, #tpu.memory_space<hbm>>, %arg18: memref<32x4096xf32, #tpu.memory_space<hbm>>, %arg19: memref<100000xf32, #tpu.memory_space<vmem>>, %arg20: memref<4096xi32, #tpu.memory_space<vmem>>, %arg21: memref<4096xf32, #tpu.memory_space<vmem>>, %arg22: memref<!tpu.dma_semaphore, #tpu.memory_space<semaphore_mem>>) attributes {dimension_semantics = [#tpu.dimension_semantics<core_parallel>, #tpu.dimension_semantics<subcore_parallel>], iteration_bounds = array<i64: 2, 16>, scalar_prefetch = 0 : i64, scratch_operands = 4 : i64, tpu.core_type = #tpu.core_type<sc_vector_subcore>, window_params = [{transform_indices = #map}, {transform_indices = #map}, {transform_indices = #map}, {transform_indices = #map}, {transform_indices = #map}, {transform_indices = #map}, {transform_indices = #map}, {transform_indices = #map}, {transform_indices = #map}, {transform_indices = #map}, {transform_indices = #map}, {transform_indices = #map}, {transform_indices = #map}, {transform_indices = #map}, {transform_indices = #map}, {transform_indices = #map}, {transform_indices = #map}]} {
    %mul3A = arith.constant 2 : i32
    %mul3A_0 = arith.muli %arg1, %mul3A : i32
    %add3A = arith.addi %mul3A_0, %arg0 : i32
    %mul3A_1 = arith.constant 7 : i32
    %mul3A_2 = arith.muli %add3A, %mul3A_1 : i32
    %lt3A = arith.constant 16 : i32
    %lt3A_3 = arith.cmpi slt, %mul3A_2, %lt3A : i32
    %add3A_4 = arith.constant 7 : i32
    %add3A_5 = arith.addi %mul3A_2, %add3A_4 : i32
    %gt3A = arith.constant 0 : i32
    %gt3A_6 = arith.cmpi sgt, %add3A_5, %gt3A : i32
    %and3A = arith.andi %lt3A_3, %gt3A_6 : i1
    %convert_element_type3A = arith.extui %and3A : i1 to i32
    %cond3A = arith.constant 0 : i32
    %cond3A_7 = arith.cmpi ne, %convert_element_type3A, %cond3A : i32
    scf.if %cond3A_7 {
      %run_scoped3A = arith.constant 0 : i32
      "tpu.region"() ({
        %run_scoped3A_93 = tpu.sem_alloc : memref<!tpu.dma_semaphore, #tpu.memory_space<semaphore_mem>>
        %dma_start3A = arith.constant 0 : i32
        %dma_start3A_94 = tpu.memref_slice %arg2[%run_scoped3A, %dma_start3A] : memref<8x4096xi32, #tpu.memory_space<hbm>> -> memref<1x4096xi32, #tpu.memory_space<hbm>>
        %dma_start3A_95 = tpu.memref_squeeze %dma_start3A_94 : memref<1x4096xi32, #tpu.memory_space<hbm>> -> memref<4096xi32, #tpu.memory_space<hbm>>
        %dma_start3A_96 = arith.constant 0 : i32
        %dma_start3A_97 = tpu.memref_slice %arg2[%run_scoped3A, %dma_start3A_96] : memref<8x4096xi32, #tpu.memory_space<hbm>> -> memref<1x4096xi32, #tpu.memory_space<hbm>>
        %dma_start3A_98 = tpu.memref_squeeze %dma_start3A_97 : memref<1x4096xi32, #tpu.memory_space<hbm>> -> memref<4096xi32, #tpu.memory_space<hbm>>
        tpu.enqueue_dma source(%dma_start3A_98 : memref<4096xi32, #tpu.memory_space<hbm>>) target(%arg20 : memref<4096xi32, #tpu.memory_space<vmem>>) target_semaphore(%run_scoped3A_93 : memref<!tpu.dma_semaphore, #tpu.memory_space<semaphore_mem>>)
        %dma_wait3A = arith.constant 0 : i32
        %dma_wait3A_99 = tpu.memref_slice %arg2[%run_scoped3A, %dma_wait3A] : memref<8x4096xi32, #tpu.memory_space<hbm>> -> memref<1x4096xi32, #tpu.memory_space<hbm>>
        %dma_wait3A_100 = tpu.memref_squeeze %dma_wait3A_99 : memref<1x4096xi32, #tpu.memory_space<hbm>> -> memref<4096xi32, #tpu.memory_space<hbm>>
        %dma_wait3A_101 = arith.constant 0 : i32
        %dma_wait3A_102 = tpu.memref_slice %arg2[%run_scoped3A, %dma_wait3A_101] : memref<8x4096xi32, #tpu.memory_space<hbm>> -> memref<1x4096xi32, #tpu.memory_space<hbm>>
        %dma_wait3A_103 = tpu.memref_squeeze %dma_wait3A_102 : memref<1x4096xi32, #tpu.memory_space<hbm>> -> memref<4096xi32, #tpu.memory_space<hbm>>
        tpu.wait_dma2 semaphore(%run_scoped3A_93 : memref<!tpu.dma_semaphore, #tpu.memory_space<semaphore_mem>>) src(%dma_wait3A_103 : memref<4096xi32, #tpu.memory_space<hbm>>) dst(%arg20 : memref<4096xi32, #tpu.memory_space<vmem>>)
        tpu.yield
      }) : () -> ()
      %sub3A = arith.constant 0 : i32
      %sub3A_78 = arith.subi %sub3A, %mul3A_2 : i32
      %max3A = arith.constant 0 : i32
      %max3A_79 = arith.maxsi %sub3A_78, %max3A : i32
      %sub3A_80 = arith.constant 16 : i32
      %sub3A_81 = arith.subi %sub3A_80, %mul3A_2 : i32
      %min3A = arith.constant 7 : i32
      %min3A_82 = arith.minsi %sub3A_81, %min3A : i32
      %while3A = arith.constant 0 : i32
      %while3A_83 = arith.subi %min3A_82, %max3A_79 : i32
      %while3A_84 = arith.addi %max3A_79, %while3A_83 : i32
      %while3A_85 = arith.constant 1 : i32
      %while3A_86 = arith.divsi %while3A_83, %while3A_85 : i32
      %while3A_87 = arith.muli %while3A_86, %while3A_85 : i32
      %while3A_88 = arith.addi %max3A_79, %while3A_87 : i32
      %while3A_89 = arith.constant 1 : i32
      %while3A_90 = scf.for %while3A_93 = %max3A_79 to %while3A_88 step %while3A_89 iter_args(%while3A_94 = %while3A) -> (i32)  : i32 {
        %add3A_95 = arith.addi %mul3A_2, %while3A_93 : i32
        %sub3A_96 = arith.constant 0 : i32
        %sub3A_97 = arith.subi %add3A_95, %sub3A_96 : i32
        %dma_start3A = arith.constant 0 : i32
        %dma_start3A_98 = tpu.memref_slice %arg3[%sub3A_97, %dma_start3A] : memref<16x100000xf32, #tpu.memory_space<hbm>> -> memref<1x100000xf32, #tpu.memory_space<hbm>>
        %dma_start3A_99 = tpu.memref_squeeze %dma_start3A_98 : memref<1x100000xf32, #tpu.memory_space<hbm>> -> memref<100000xf32, #tpu.memory_space<hbm>>
        %dma_start3A_100 = arith.constant 0 : i32
        %dma_start3A_101 = tpu.memref_slice %arg3[%sub3A_97, %dma_start3A_100] : memref<16x100000xf32, #tpu.memory_space<hbm>> -> memref<1x100000xf32, #tpu.memory_space<hbm>>
        %dma_start3A_102 = tpu.memref_squeeze %dma_start3A_101 : memref<1x100000xf32, #tpu.memory_space<hbm>> -> memref<100000xf32, #tpu.memory_space<hbm>>
        tpu.enqueue_dma source(%dma_start3A_102 : memref<100000xf32, #tpu.memory_space<hbm>>) target(%arg19 : memref<100000xf32, #tpu.memory_space<vmem>>) target_semaphore(%arg22 : memref<!tpu.dma_semaphore, #tpu.memory_space<semaphore_mem>>)
        %dma_wait3A = arith.constant 0 : i32
        %dma_wait3A_103 = tpu.memref_slice %arg3[%sub3A_97, %dma_wait3A] : memref<16x100000xf32, #tpu.memory_space<hbm>> -> memref<1x100000xf32, #tpu.memory_space<hbm>>
        %dma_wait3A_104 = tpu.memref_squeeze %dma_wait3A_103 : memref<1x100000xf32, #tpu.memory_space<hbm>> -> memref<100000xf32, #tpu.memory_space<hbm>>
        %dma_wait3A_105 = arith.constant 0 : i32
        %dma_wait3A_106 = tpu.memref_slice %arg3[%sub3A_97, %dma_wait3A_105] : memref<16x100000xf32, #tpu.memory_space<hbm>> -> memref<1x100000xf32, #tpu.memory_space<hbm>>
        %dma_wait3A_107 = tpu.memref_squeeze %dma_wait3A_106 : memref<1x100000xf32, #tpu.memory_space<hbm>> -> memref<100000xf32, #tpu.memory_space<hbm>>
        tpu.wait_dma2 semaphore(%arg22 : memref<!tpu.dma_semaphore, #tpu.memory_space<semaphore_mem>>) src(%dma_wait3A_107 : memref<100000xf32, #tpu.memory_space<hbm>>) dst(%arg19 : memref<100000xf32, #tpu.memory_space<vmem>>)
        %scan3A = arith.constant 0 : i32
        %scan3A_108 = arith.constant 0 : i32
        %scan3A_109 = arith.constant 128 : i32
        %scan3A_110 = arith.addi %scan3A_108, %scan3A_109 : i32
        %scan3A_111 = arith.constant 1 : i32
        %scan3A_112 = scf.for %scan3A_115 = %scan3A_108 to %scan3A_110 step %scan3A_111 iter_args(%scan3A_116 = %scan3A) -> (i32)  : i32 {
          %mul3A_117 = arith.constant 2 : i32
          %mul3A_118 = arith.muli %scan3A_115, %mul3A_117 : i32
          %mul3A_119 = arith.constant 16 : i32
          %mul3A_120 = arith.muli %mul3A_118, %mul3A_119 : i32
          %mul3A_121 = arith.constant 2 : i32
          %mul3A_122 = arith.muli %scan3A_115, %mul3A_121 : i32
          %mul3A_123 = arith.constant 16 : i32
          %mul3A_124 = arith.muli %mul3A_122, %mul3A_123 : i32
          %add3A_125 = arith.constant 16 : i32
          %add3A_126 = arith.addi %mul3A_124, %add3A_125 : i32
          %get3A = arith.index_cast %mul3A_120 : i32 to index
          %get3A_127 = tpu.vector_load %arg20[%get3A] {strides = array<i32>} : memref<4096xi32, #tpu.memory_space<vmem>>, vector<16xi32>,
          %gather3A = tpu.vector_load_idx %arg19[%get3A_127] : memref<100000xf32, #tpu.memory_space<vmem>>[vector<16xi32>], vector<16xf32>,
          %swap3A = arith.index_cast %mul3A_120 : i32 to index
          %swap3A_128 = tpu.vector_load %arg21[%swap3A] {strides = array<i32>} : memref<4096xf32, #tpu.memory_space<vmem>>, vector<16xf32>,
          tpu.vector_store %arg21[%swap3A], %gather3A {strides = array<i32>} : memref<4096xf32, #tpu.memory_space<vmem>>, vector<16xf32>,
          %get3A_129 = arith.index_cast %add3A_126 : i32 to index
          %get3A_130 = tpu.vector_load %arg20[%get3A_129] {strides = array<i32>} : memref<4096xi32, #tpu.memory_space<vmem>>, vector<16xi32>,
          %gather3A_131 = tpu.vector_load_idx %arg19[%get3A_130] : memref<100000xf32, #tpu.memory_space<vmem>>[vector<16xi32>], vector<16xf32>,
          %swap3A_132 = arith.index_cast %add3A_126 : i32 to index
          %swap3A_133 = tpu.vector_load %arg21[%swap3A_132] {strides = array<i32>} : memref<4096xf32, #tpu.memory_space<vmem>>, vector<16xf32>,
          tpu.vector_store %arg21[%swap3A_132], %gather3A_131 {strides = array<i32>} : memref<4096xf32, #tpu.memory_space<vmem>>, vector<16xf32>,
          %scan3A_134 = arith.constant 0 : i32
          scf.yield %scan3A_134 : i32
        }
        %scan3A_113 = arith.constant 128 : i32
        "tpu.region"() ({
          %run_scoped3A_115 = tpu.sem_alloc : memref<!tpu.dma_semaphore, #tpu.memory_space<semaphore_mem>>
          %dma_start3A_116 = arith.constant 0 : i32
          %dma_start3A_117 = tpu.memref_slice %arg11[%sub3A_97, %dma_start3A_116] : memref<16x4096xf32, #tpu.memory_space<hbm>> -> memref<1x4096xf32, #tpu.memory_space<hbm>>
          %dma_start3A_118 = tpu.memref_squeeze %dma_start3A_117 : memref<1x4096xf32, #tpu.memory_space<hbm>> -> memref<4096xf32, #tpu.memory_space<hbm>>
          %dma_start3A_119 = arith.constant 0 : i32
          %dma_start3A_120 = tpu.memref_slice %arg11[%sub3A_97, %dma_start3A_119] : memref<16x4096xf32, #tpu.memory_space<hbm>> -> memref<1x4096xf32, #tpu.memory_space<hbm>>
          %dma_start3A_121 = tpu.memref_squeeze %dma_start3A_120 : memref<1x4096xf32, #tpu.memory_space<hbm>> -> memref<4096xf32, #tpu.memory_space<hbm>>
          tpu.enqueue_dma source(%arg21 : memref<4096xf32, #tpu.memory_space<vmem>>) target(%dma_start3A_121 : memref<4096xf32, #tpu.memory_space<hbm>>) target_semaphore(%run_scoped3A_115 : memref<!tpu.dma_semaphore, #tpu.memory_space<semaphore_mem>>)
          %dma_wait3A_122 = arith.constant 0 : i32
          %dma_wait3A_123 = tpu.memref_slice %arg11[%sub3A_97, %dma_wait3A_122] : memref<16x4096xf32, #tpu.memory_space<hbm>> -> memref<1x4096xf32, #tpu.memory_space<hbm>>
          %dma_wait3A_124 = tpu.memref_squeeze %dma_wait3A_123 : memref<1x4096xf32, #tpu.memory_space<hbm>> -> memref<4096xf32, #tpu.memory_space<hbm>>
          %dma_wait3A_125 = arith.constant 0 : i32
          %dma_wait3A_126 = tpu.memref_slice %arg11[%sub3A_97, %dma_wait3A_125] : memref<16x4096xf32, #tpu.memory_space<hbm>> -> memref<1x4096xf32, #tpu.memory_space<hbm>>
          %dma_wait3A_127 = tpu.memref_squeeze %dma_wait3A_126 : memref<1x4096xf32, #tpu.memory_space<hbm>> -> memref<4096xf32, #tpu.memory_space<hbm>>
          tpu.wait_dma2 semaphore(%run_scoped3A_115 : memref<!tpu.dma_semaphore, #tpu.memory_space<semaphore_mem>>) src(%arg21 : memref<4096xf32, #tpu.memory_space<vmem>>) dst(%dma_wait3A_127 : memref<4096xf32, #tpu.memory_space<hbm>>)
          tpu.yield
        }) : () -> ()
        %while3A_114 = arith.constant 0 : i32
        scf.yield %while3A_114 : i32
      }
      %while3A_91 = arith.constant 1 : i32
      %while3A_92 = scf.for %while3A_93 = %while3A_88 to %while3A_84 step %while3A_91 iter_args(%while3A_94 = %while3A_90) -> (i32)  : i32 {
        %add3A_95 = arith.addi %mul3A_2, %while3A_93 : i32
        %sub3A_96 = arith.constant 0 : i32
        %sub3A_97 = arith.subi %add3A_95, %sub3A_96 : i32
        %dma_start3A = arith.constant 0 : i32
        %dma_start3A_98 = tpu.memref_slice %arg3[%sub3A_97, %dma_start3A] : memref<16x100000xf32, #tpu.memory_space<hbm>> -> memref<1x100000xf32, #tpu.memory_space<hbm>>
        %dma_start3A_99 = tpu.memref_squeeze %dma_start3A_98 : memref<1x100000xf32, #tpu.memory_space<hbm>> -> memref<100000xf32, #tpu.memory_space<hbm>>
        %dma_start3A_100 = arith.constant 0 : i32
        %dma_start3A_101 = tpu.memref_slice %arg3[%sub3A_97, %dma_start3A_100] : memref<16x100000xf32, #tpu.memory_space<hbm>> -> memref<1x100000xf32, #tpu.memory_space<hbm>>
        %dma_start3A_102 = tpu.memref_squeeze %dma_start3A_101 : memref<1x100000xf32, #tpu.memory_space<hbm>> -> memref<100000xf32, #tpu.memory_space<hbm>>
        tpu.enqueue_dma source(%dma_start3A_102 : memref<100000xf32, #tpu.memory_space<hbm>>) target(%arg19 : memref<100000xf32, #tpu.memory_space<vmem>>) target_semaphore(%arg22 : memref<!tpu.dma_semaphore, #tpu.memory_space<semaphore_mem>>)
        %dma_wait3A = arith.constant 0 : i32
        %dma_wait3A_103 = tpu.memref_slice %arg3[%sub3A_97, %dma_wait3A] : memref<16x100000xf32, #tpu.memory_space<hbm>> -> memref<1x100000xf32, #tpu.memory_space<hbm>>
        %dma_wait3A_104 = tpu.memref_squeeze %dma_wait3A_103 : memref<1x100000xf32, #tpu.memory_space<hbm>> -> memref<100000xf32, #tpu.memory_space<hbm>>
        %dma_wait3A_105 = arith.constant 0 : i32
        %dma_wait3A_106 = tpu.memref_slice %arg3[%sub3A_97, %dma_wait3A_105] : memref<16x100000xf32, #tpu.memory_space<hbm>> -> memref<1x100000xf32, #tpu.memory_space<hbm>>
        %dma_wait3A_107 = tpu.memref_squeeze %dma_wait3A_106 : memref<1x100000xf32, #tpu.memory_space<hbm>> -> memref<100000xf32, #tpu.memory_space<hbm>>
        tpu.wait_dma2 semaphore(%arg22 : memref<!tpu.dma_semaphore, #tpu.memory_space<semaphore_mem>>) src(%dma_wait3A_107 : memref<100000xf32, #tpu.memory_space<hbm>>) dst(%arg19 : memref<100000xf32, #tpu.memory_space<vmem>>)
        %scan3A = arith.constant 0 : i32
        %scan3A_108 = arith.constant 0 : i32
        %scan3A_109 = arith.constant 128 : i32
        %scan3A_110 = arith.addi %scan3A_108, %scan3A_109 : i32
        %scan3A_111 = arith.constant 1 : i32
        %scan3A_112 = scf.for %scan3A_115 = %scan3A_108 to %scan3A_110 step %scan3A_111 iter_args(%scan3A_116 = %scan3A) -> (i32)  : i32 {
          %mul3A_117 = arith.constant 2 : i32
          %mul3A_118 = arith.muli %scan3A_115, %mul3A_117 : i32
          %mul3A_119 = arith.constant 16 : i32
          %mul3A_120 = arith.muli %mul3A_118, %mul3A_119 : i32
          %mul3A_121 = arith.constant 2 : i32
          %mul3A_122 = arith.muli %scan3A_115, %mul3A_121 : i32
          %mul3A_123 = arith.constant 16 : i32
          %mul3A_124 = arith.muli %mul3A_122, %mul3A_123 : i32
          %add3A_125 = arith.constant 16 : i32
          %add3A_126 = arith.addi %mul3A_124, %add3A_125 : i32
          %get3A = arith.index_cast %mul3A_120 : i32 to index
          %get3A_127 = tpu.vector_load %arg20[%get3A] {strides = array<i32>} : memref<4096xi32, #tpu.memory_space<vmem>>, vector<16xi32>,
          %gather3A = tpu.vector_load_idx %arg19[%get3A_127] : memref<100000xf32, #tpu.memory_space<vmem>>[vector<16xi32>], vector<16xf32>,
          %swap3A = arith.index_cast %mul3A_120 : i32 to index
          %swap3A_128 = tpu.vector_load %arg21[%swap3A] {strides = array<i32>} : memref<4096xf32, #tpu.memory_space<vmem>>, vector<16xf32>,
          tpu.vector_store %arg21[%swap3A], %gather3A {strides = array<i32>} : memref<4096xf32, #tpu.memory_space<vmem>>, vector<16xf32>,
          %get3A_129 = arith.index_cast %add3A_126 : i32 to index
          %get3A_130 = tpu.vector_load %arg20[%get3A_129] {strides = array<i32>} : memref<4096xi32, #tpu.memory_space<vmem>>, vector<16xi32>,
          %gather3A_131 = tpu.vector_load_idx %arg19[%get3A_130] : memref<100000xf32, #tpu.memory_space<vmem>>[vector<16xi32>], vector<16xf32>,
          %swap3A_132 = arith.index_cast %add3A_126 : i32 to index
          %swap3A_133 = tpu.vector_load %arg21[%swap3A_132] {strides = array<i32>} : memref<4096xf32, #tpu.memory_space<vmem>>, vector<16xf32>,
          tpu.vector_store %arg21[%swap3A_132], %gather3A_131 {strides = array<i32>} : memref<4096xf32, #tpu.memory_space<vmem>>, vector<16xf32>,
          %scan3A_134 = arith.constant 0 : i32
          scf.yield %scan3A_134 : i32
        }
        %scan3A_113 = arith.constant 128 : i32
        "tpu.region"() ({
          %run_scoped3A_115 = tpu.sem_alloc : memref<!tpu.dma_semaphore, #tpu.memory_space<semaphore_mem>>
          %dma_start3A_116 = arith.constant 0 : i32
          %dma_start3A_117 = tpu.memref_slice %arg11[%sub3A_97, %dma_start3A_116] : memref<16x4096xf32, #tpu.memory_space<hbm>> -> memref<1x4096xf32, #tpu.memory_space<hbm>>
          %dma_start3A_118 = tpu.memref_squeeze %dma_start3A_117 : memref<1x4096xf32, #tpu.memory_space<hbm>> -> memref<4096xf32, #tpu.memory_space<hbm>>
          %dma_start3A_119 = arith.constant 0 : i32
          %dma_start3A_120 = tpu.memref_slice %arg11[%sub3A_97, %dma_start3A_119] : memref<16x4096xf32, #tpu.memory_space<hbm>> -> memref<1x4096xf32, #tpu.memory_space<hbm>>
          %dma_start3A_121 = tpu.memref_squeeze %dma_start3A_120 : memref<1x4096xf32, #tpu.memory_space<hbm>> -> memref<4096xf32, #tpu.memory_space<hbm>>
          tpu.enqueue_dma source(%arg21 : memref<4096xf32, #tpu.memory_space<vmem>>) target(%dma_start3A_121 : memref<4096xf32, #tpu.memory_space<hbm>>) target_semaphore(%run_scoped3A_115 : memref<!tpu.dma_semaphore, #tpu.memory_space<semaphore_mem>>)
          %dma_wait3A_122 = arith.constant 0 : i32
          %dma_wait3A_123 = tpu.memref_slice %arg11[%sub3A_97, %dma_wait3A_122] : memref<16x4096xf32, #tpu.memory_space<hbm>> -> memref<1x4096xf32, #tpu.memory_space<hbm>>
          %dma_wait3A_124 = tpu.memref_squeeze %dma_wait3A_123 : memref<1x4096xf32, #tpu.memory_space<hbm>> -> memref<4096xf32, #tpu.memory_space<hbm>>
          %dma_wait3A_125 = arith.constant 0 : i32
          %dma_wait3A_126 = tpu.memref_slice %arg11[%sub3A_97, %dma_wait3A_125] : memref<16x4096xf32, #tpu.memory_space<hbm>> -> memref<1x4096xf32, #tpu.memory_space<hbm>>
          %dma_wait3A_127 = tpu.memref_squeeze %dma_wait3A_126 : memref<1x4096xf32, #tpu.memory_space<hbm>> -> memref<4096xf32, #tpu.memory_space<hbm>>
          tpu.wait_dma2 semaphore(%run_scoped3A_115 : memref<!tpu.dma_semaphore, #tpu.memory_space<semaphore_mem>>) src(%arg21 : memref<4096xf32, #tpu.memory_space<vmem>>) dst(%dma_wait3A_127 : memref<4096xf32, #tpu.memory_space<hbm>>)
          tpu.yield
        }) : () -> ()
        %while3A_114 = arith.constant 0 : i32
        scf.yield %while3A_114 : i32
      }
    } else {
    }
    %lt3A_8 = arith.constant 32 : i32
    %lt3A_9 = arith.cmpi slt, %mul3A_2, %lt3A_8 : i32
    %add3A_10 = arith.constant 7 : i32
    %add3A_11 = arith.addi %mul3A_2, %add3A_10 : i32
    %gt3A_12 = arith.constant 16 : i32
    %gt3A_13 = arith.cmpi sgt, %add3A_11, %gt3A_12 : i32
    %and3A_14 = arith.andi %lt3A_9, %gt3A_13 : i1
    %convert_element_type3A_15 = arith.extui %and3A_14 : i1 to i32
    %cond3A_16 = arith.constant 0 : i32
    %cond3A_17 = arith.cmpi ne, %convert_element_type3A_15, %cond3A_16 : i32
    scf.if %cond3A_17 {
      %run_scoped3A = arith.constant 1 : i32
      "tpu.region"() ({
        %run_scoped3A_93 = tpu.sem_alloc : memref<!tpu.dma_semaphore, #tpu.memory_space<semaphore_mem>>
        %dma_start3A = arith.constant 0 : i32
        %dma_start3A_94 = tpu.memref_slice %arg2[%run_scoped3A, %dma_start3A] : memref<8x4096xi32, #tpu.memory_space<hbm>> -> memref<1x4096xi32, #tpu.memory_space<hbm>>
        %dma_start3A_95 = tpu.memref_squeeze %dma_start3A_94 : memref<1x4096xi32, #tpu.memory_space<hbm>> -> memref<4096xi32, #tpu.memory_space<hbm>>
        %dma_start3A_96 = arith.constant 0 : i32
        %dma_start3A_97 = tpu.memref_slice %arg2[%run_scoped3A, %dma_start3A_96] : memref<8x4096xi32, #tpu.memory_space<hbm>> -> memref<1x4096xi32, #tpu.memory_space<hbm>>
        %dma_start3A_98 = tpu.memref_squeeze %dma_start3A_97 : memref<1x4096xi32, #tpu.memory_space<hbm>> -> memref<4096xi32, #tpu.memory_space<hbm>>
        tpu.enqueue_dma source(%dma_start3A_98 : memref<4096xi32, #tpu.memory_space<hbm>>) target(%arg20 : memref<4096xi32, #tpu.memory_space<vmem>>) target_semaphore(%run_scoped3A_93 : memref<!tpu.dma_semaphore, #tpu.memory_space<semaphore_mem>>)
        %dma_wait3A = arith.constant 0 : i32
        %dma_wait3A_99 = tpu.memref_slice %arg2[%run_scoped3A, %dma_wait3A] : memref<8x4096xi32, #tpu.memory_space<hbm>> -> memref<1x4096xi32, #tpu.memory_space<hbm>>
        %dma_wait3A_100 = tpu.memref_squeeze %dma_wait3A_99 : memref<1x4096xi32, #tpu.memory_space<hbm>> -> memref<4096xi32, #tpu.memory_space<hbm>>
        %dma_wait3A_101 = arith.constant 0 : i32
        %dma_wait3A_102 = tpu.memref_slice %arg2[%run_scoped3A, %dma_wait3A_101] : memref<8x4096xi32, #tpu.memory_space<hbm>> -> memref<1x4096xi32, #tpu.memory_space<hbm>>
        %dma_wait3A_103 = tpu.memref_squeeze %dma_wait3A_102 : memref<1x4096xi32, #tpu.memory_space<hbm>> -> memref<4096xi32, #tpu.memory_space<hbm>>
        tpu.wait_dma2 semaphore(%run_scoped3A_93 : memref<!tpu.dma_semaphore, #tpu.memory_space<semaphore_mem>>) src(%dma_wait3A_103 : memref<4096xi32, #tpu.memory_space<hbm>>) dst(%arg20 : memref<4096xi32, #tpu.memory_space<vmem>>)
        tpu.yield
      }) : () -> ()
      %sub3A = arith.constant 16 : i32
      %sub3A_78 = arith.subi %sub3A, %mul3A_2 : i32
      %max3A = arith.constant 0 : i32
      %max3A_79 = arith.maxsi %sub3A_78, %max3A : i32
      %sub3A_80 = arith.constant 32 : i32
      %sub3A_81 = arith.subi %sub3A_80, %mul3A_2 : i32
      %min3A = arith.constant 7 : i32
      %min3A_82 = arith.minsi %sub3A_81, %min3A : i32
      %while3A = arith.constant 0 : i32
      %while3A_83 = arith.subi %min3A_82, %max3A_79 : i32
      %while3A_84 = arith.addi %max3A_79, %while3A_83 : i32
      %while3A_85 = arith.constant 1 : i32
      %while3A_86 = arith.divsi %while3A_83, %while3A_85 : i32
      %while3A_87 = arith.muli %while3A_86, %while3A_85 : i32
      %while3A_88 = arith.addi %max3A_79, %while3A_87 : i32
      %while3A_89 = arith.constant 1 : i32
      %while3A_90 = scf.for %while3A_93 = %max3A_79 to %while3A_88 step %while3A_89 iter_args(%while3A_94 = %while3A) -> (i32)  : i32 {
        %add3A_95 = arith.addi %mul3A_2, %while3A_93 : i32
        %sub3A_96 = arith.constant 16 : i32
        %sub3A_97 = arith.subi %add3A_95, %sub3A_96 : i32
        %dma_start3A = arith.constant 0 : i32
        %dma_start3A_98 = tpu.memref_slice %arg4[%sub3A_97, %dma_start3A] : memref<16x100000xf32, #tpu.memory_space<hbm>> -> memref<1x100000xf32, #tpu.memory_space<hbm>>
        %dma_start3A_99 = tpu.memref_squeeze %dma_start3A_98 : memref<1x100000xf32, #tpu.memory_space<hbm>> -> memref<100000xf32, #tpu.memory_space<hbm>>
        %dma_start3A_100 = arith.constant 0 : i32
        %dma_start3A_101 = tpu.memref_slice %arg4[%sub3A_97, %dma_start3A_100] : memref<16x100000xf32, #tpu.memory_space<hbm>> -> memref<1x100000xf32, #tpu.memory_space<hbm>>
        %dma_start3A_102 = tpu.memref_squeeze %dma_start3A_101 : memref<1x100000xf32, #tpu.memory_space<hbm>> -> memref<100000xf32, #tpu.memory_space<hbm>>
        tpu.enqueue_dma source(%dma_start3A_102 : memref<100000xf32, #tpu.memory_space<hbm>>) target(%arg19 : memref<100000xf32, #tpu.memory_space<vmem>>) target_semaphore(%arg22 : memref<!tpu.dma_semaphore, #tpu.memory_space<semaphore_mem>>)
        %dma_wait3A = arith.constant 0 : i32
        %dma_wait3A_103 = tpu.memref_slice %arg4[%sub3A_97, %dma_wait3A] : memref<16x100000xf32, #tpu.memory_space<hbm>> -> memref<1x100000xf32, #tpu.memory_space<hbm>>
        %dma_wait3A_104 = tpu.memref_squeeze %dma_wait3A_103 : memref<1x100000xf32, #tpu.memory_space<hbm>> -> memref<100000xf32, #tpu.memory_space<hbm>>
        %dma_wait3A_105 = arith.constant 0 : i32
        %dma_wait3A_106 = tpu.memref_slice %arg4[%sub3A_97, %dma_wait3A_105] : memref<16x100000xf32, #tpu.memory_space<hbm>> -> memref<1x100000xf32, #tpu.memory_space<hbm>>
        %dma_wait3A_107 = tpu.memref_squeeze %dma_wait3A_106 : memref<1x100000xf32, #tpu.memory_space<hbm>> -> memref<100000xf32, #tpu.memory_space<hbm>>
        tpu.wait_dma2 semaphore(%arg22 : memref<!tpu.dma_semaphore, #tpu.memory_space<semaphore_mem>>) src(%dma_wait3A_107 : memref<100000xf32, #tpu.memory_space<hbm>>) dst(%arg19 : memref<100000xf32, #tpu.memory_space<vmem>>)
        %scan3A = arith.constant 0 : i32
        %scan3A_108 = arith.constant 0 : i32
        %scan3A_109 = arith.constant 128 : i32
        %scan3A_110 = arith.addi %scan3A_108, %scan3A_109 : i32
        %scan3A_111 = arith.constant 1 : i32
        %scan3A_112 = scf.for %scan3A_115 = %scan3A_108 to %scan3A_110 step %scan3A_111 iter_args(%scan3A_116 = %scan3A) -> (i32)  : i32 {
          %mul3A_117 = arith.constant 2 : i32
          %mul3A_118 = arith.muli %scan3A_115, %mul3A_117 : i32
          %mul3A_119 = arith.constant 16 : i32
          %mul3A_120 = arith.muli %mul3A_118, %mul3A_119 : i32
          %mul3A_121 = arith.constant 2 : i32
          %mul3A_122 = arith.muli %scan3A_115, %mul3A_121 : i32
          %mul3A_123 = arith.constant 16 : i32
          %mul3A_124 = arith.muli %mul3A_122, %mul3A_123 : i32
          %add3A_125 = arith.constant 16 : i32
          %add3A_126 = arith.addi %mul3A_124, %add3A_125 : i32
          %get3A = arith.index_cast %mul3A_120 : i32 to index
          %get3A_127 = tpu.vector_load %arg20[%get3A] {strides = array<i32>} : memref<4096xi32, #tpu.memory_space<vmem>>, vector<16xi32>,
          %gather3A = tpu.vector_load_idx %arg19[%get3A_127] : memref<100000xf32, #tpu.memory_space<vmem>>[vector<16xi32>], vector<16xf32>,
          %swap3A = arith.index_cast %mul3A_120 : i32 to index
          %swap3A_128 = tpu.vector_load %arg21[%swap3A] {strides = array<i32>} : memref<4096xf32, #tpu.memory_space<vmem>>, vector<16xf32>,
          tpu.vector_store %arg21[%swap3A], %gather3A {strides = array<i32>} : memref<4096xf32, #tpu.memory_space<vmem>>, vector<16xf32>,
          %get3A_129 = arith.index_cast %add3A_126 : i32 to index
          %get3A_130 = tpu.vector_load %arg20[%get3A_129] {strides = array<i32>} : memref<4096xi32, #tpu.memory_space<vmem>>, vector<16xi32>,
          %gather3A_131 = tpu.vector_load_idx %arg19[%get3A_130] : memref<100000xf32, #tpu.memory_space<vmem>>[vector<16xi32>], vector<16xf32>,
          %swap3A_132 = arith.index_cast %add3A_126 : i32 to index
          %swap3A_133 = tpu.vector_load %arg21[%swap3A_132] {strides = array<i32>} : memref<4096xf32, #tpu.memory_space<vmem>>, vector<16xf32>,
          tpu.vector_store %arg21[%swap3A_132], %gather3A_131 {strides = array<i32>} : memref<4096xf32, #tpu.memory_space<vmem>>, vector<16xf32>,
          %scan3A_134 = arith.constant 0 : i32
          scf.yield %scan3A_134 : i32
        }
        %scan3A_113 = arith.constant 128 : i32
        "tpu.region"() ({
          %run_scoped3A_115 = tpu.sem_alloc : memref<!tpu.dma_semaphore, #tpu.memory_space<semaphore_mem>>
          %dma_start3A_116 = arith.constant 0 : i32
          %dma_start3A_117 = tpu.memref_slice %arg12[%sub3A_97, %dma_start3A_116] : memref<16x4096xf32, #tpu.memory_space<hbm>> -> memref<1x4096xf32, #tpu.memory_space<hbm>>
          %dma_start3A_118 = tpu.memref_squeeze %dma_start3A_117 : memref<1x4096xf32, #tpu.memory_space<hbm>> -> memref<4096xf32, #tpu.memory_space<hbm>>
          %dma_start3A_119 = arith.constant 0 : i32
          %dma_start3A_120 = tpu.memref_slice %arg12[%sub3A_97, %dma_start3A_119] : memref<16x4096xf32, #tpu.memory_space<hbm>> -> memref<1x4096xf32, #tpu.memory_space<hbm>>
          %dma_start3A_121 = tpu.memref_squeeze %dma_start3A_120 : memref<1x4096xf32, #tpu.memory_space<hbm>> -> memref<4096xf32, #tpu.memory_space<hbm>>
          tpu.enqueue_dma source(%arg21 : memref<4096xf32, #tpu.memory_space<vmem>>) target(%dma_start3A_121 : memref<4096xf32, #tpu.memory_space<hbm>>) target_semaphore(%run_scoped3A_115 : memref<!tpu.dma_semaphore, #tpu.memory_space<semaphore_mem>>)
          %dma_wait3A_122 = arith.constant 0 : i32
          %dma_wait3A_123 = tpu.memref_slice %arg12[%sub3A_97, %dma_wait3A_122] : memref<16x4096xf32, #tpu.memory_space<hbm>> -> memref<1x4096xf32, #tpu.memory_space<hbm>>
          %dma_wait3A_124 = tpu.memref_squeeze %dma_wait3A_123 : memref<1x4096xf32, #tpu.memory_space<hbm>> -> memref<4096xf32, #tpu.memory_space<hbm>>
          %dma_wait3A_125 = arith.constant 0 : i32
          %dma_wait3A_126 = tpu.memref_slice %arg12[%sub3A_97, %dma_wait3A_125] : memref<16x4096xf32, #tpu.memory_space<hbm>> -> memref<1x4096xf32, #tpu.memory_space<hbm>>
          %dma_wait3A_127 = tpu.memref_squeeze %dma_wait3A_126 : memref<1x4096xf32, #tpu.memory_space<hbm>> -> memref<4096xf32, #tpu.memory_space<hbm>>
          tpu.wait_dma2 semaphore(%run_scoped3A_115 : memref<!tpu.dma_semaphore, #tpu.memory_space<semaphore_mem>>) src(%arg21 : memref<4096xf32, #tpu.memory_space<vmem>>) dst(%dma_wait3A_127 : memref<4096xf32, #tpu.memory_space<hbm>>)
          tpu.yield
        }) : () -> ()
        %while3A_114 = arith.constant 0 : i32
        scf.yield %while3A_114 : i32
      }
      %while3A_91 = arith.constant 1 : i32
      %while3A_92 = scf.for %while3A_93 = %while3A_88 to %while3A_84 step %while3A_91 iter_args(%while3A_94 = %while3A_90) -> (i32)  : i32 {
        %add3A_95 = arith.addi %mul3A_2, %while3A_93 : i32
        %sub3A_96 = arith.constant 16 : i32
        %sub3A_97 = arith.subi %add3A_95, %sub3A_96 : i32
        %dma_start3A = arith.constant 0 : i32
        %dma_start3A_98 = tpu.memref_slice %arg4[%sub3A_97, %dma_start3A] : memref<16x100000xf32, #tpu.memory_space<hbm>> -> memref<1x100000xf32, #tpu.memory_space<hbm>>
        %dma_start3A_99 = tpu.memref_squeeze %dma_start3A_98 : memref<1x100000xf32, #tpu.memory_space<hbm>> -> memref<100000xf32, #tpu.memory_space<hbm>>
        %dma_start3A_100 = arith.constant 0 : i32
        %dma_start3A_101 = tpu.memref_slice %arg4[%sub3A_97, %dma_start3A_100] : memref<16x100000xf32, #tpu.memory_space<hbm>> -> memref<1x100000xf32, #tpu.memory_space<hbm>>
        %dma_start3A_102 = tpu.memref_squeeze %dma_start3A_101 : memref<1x100000xf32, #tpu.memory_space<hbm>> -> memref<100000xf32, #tpu.memory_space<hbm>>
        tpu.enqueue_dma source(%dma_start3A_102 : memref<100000xf32, #tpu.memory_space<hbm>>) target(%arg19 : memref<100000xf32, #tpu.memory_space<vmem>>) target_semaphore(%arg22 : memref<!tpu.dma_semaphore, #tpu.memory_space<semaphore_mem>>)
        %dma_wait3A = arith.constant 0 : i32
        %dma_wait3A_103 = tpu.memref_slice %arg4[%sub3A_97, %dma_wait3A] : memref<16x100000xf32, #tpu.memory_space<hbm>> -> memref<1x100000xf32, #tpu.memory_space<hbm>>
        %dma_wait3A_104 = tpu.memref_squeeze %dma_wait3A_103 : memref<1x100000xf32, #tpu.memory_space<hbm>> -> memref<100000xf32, #tpu.memory_space<hbm>>
        %dma_wait3A_105 = arith.constant 0 : i32
        %dma_wait3A_106 = tpu.memref_slice %arg4[%sub3A_97, %dma_wait3A_105] : memref<16x100000xf32, #tpu.memory_space<hbm>> -> memref<1x100000xf32, #tpu.memory_space<hbm>>
        %dma_wait3A_107 = tpu.memref_squeeze %dma_wait3A_106 : memref<1x100000xf32, #tpu.memory_space<hbm>> -> memref<100000xf32, #tpu.memory_space<hbm>>
        tpu.wait_dma2 semaphore(%arg22 : memref<!tpu.dma_semaphore, #tpu.memory_space<semaphore_mem>>) src(%dma_wait3A_107 : memref<100000xf32, #tpu.memory_space<hbm>>) dst(%arg19 : memref<100000xf32, #tpu.memory_space<vmem>>)
        %scan3A = arith.constant 0 : i32
        %scan3A_108 = arith.constant 0 : i32
        %scan3A_109 = arith.constant 128 : i32
        %scan3A_110 = arith.addi %scan3A_108, %scan3A_109 : i32
        %scan3A_111 = arith.constant 1 : i32
        %scan3A_112 = scf.for %scan3A_115 = %scan3A_108 to %scan3A_110 step %scan3A_111 iter_args(%scan3A_116 = %scan3A) -> (i32)  : i32 {
          %mul3A_117 = arith.constant 2 : i32
          %mul3A_118 = arith.muli %scan3A_115, %mul3A_117 : i32
          %mul3A_119 = arith.constant 16 : i32
          %mul3A_120 = arith.muli %mul3A_118, %mul3A_119 : i32
          %mul3A_121 = arith.constant 2 : i32
          %mul3A_122 = arith.muli %scan3A_115, %mul3A_121 : i32
          %mul3A_123 = arith.constant 16 : i32
          %mul3A_124 = arith.muli %mul3A_122, %mul3A_123 : i32
          %add3A_125 = arith.constant 16 : i32
          %add3A_126 = arith.addi %mul3A_124, %add3A_125 : i32
          %get3A = arith.index_cast %mul3A_120 : i32 to index
          %get3A_127 = tpu.vector_load %arg20[%get3A] {strides = array<i32>} : memref<4096xi32, #tpu.memory_space<vmem>>, vector<16xi32>,
          %gather3A = tpu.vector_load_idx %arg19[%get3A_127] : memref<100000xf32, #tpu.memory_space<vmem>>[vector<16xi32>], vector<16xf32>,
          %swap3A = arith.index_cast %mul3A_120 : i32 to index
          %swap3A_128 = tpu.vector_load %arg21[%swap3A] {strides = array<i32>} : memref<4096xf32, #tpu.memory_space<vmem>>, vector<16xf32>,
          tpu.vector_store %arg21[%swap3A], %gather3A {strides = array<i32>} : memref<4096xf32, #tpu.memory_space<vmem>>, vector<16xf32>,
          %get3A_129 = arith.index_cast %add3A_126 : i32 to index
          %get3A_130 = tpu.vector_load %arg20[%get3A_129] {strides = array<i32>} : memref<4096xi32, #tpu.memory_space<vmem>>, vector<16xi32>,
          %gather3A_131 = tpu.vector_load_idx %arg19[%get3A_130] : memref<100000xf32, #tpu.memory_space<vmem>>[vector<16xi32>], vector<16xf32>,
          %swap3A_132 = arith.index_cast %add3A_126 : i32 to index
          %swap3A_133 = tpu.vector_load %arg21[%swap3A_132] {strides = array<i32>} : memref<4096xf32, #tpu.memory_space<vmem>>, vector<16xf32>,
          tpu.vector_store %arg21[%swap3A_132], %gather3A_131 {strides = array<i32>} : memref<4096xf32, #tpu.memory_space<vmem>>, vector<16xf32>,
          %scan3A_134 = arith.constant 0 : i32
          scf.yield %scan3A_134 : i32
        }
        %scan3A_113 = arith.constant 128 : i32
        "tpu.region"() ({
          %run_scoped3A_115 = tpu.sem_alloc : memref<!tpu.dma_semaphore, #tpu.memory_space<semaphore_mem>>
          %dma_start3A_116 = arith.constant 0 : i32
          %dma_start3A_117 = tpu.memref_slice %arg12[%sub3A_97, %dma_start3A_116] : memref<16x4096xf32, #tpu.memory_space<hbm>> -> memref<1x4096xf32, #tpu.memory_space<hbm>>
          %dma_start3A_118 = tpu.memref_squeeze %dma_start3A_117 : memref<1x4096xf32, #tpu.memory_space<hbm>> -> memref<4096xf32, #tpu.memory_space<hbm>>
          %dma_start3A_119 = arith.constant 0 : i32
          %dma_start3A_120 = tpu.memref_slice %arg12[%sub3A_97, %dma_start3A_119] : memref<16x4096xf32, #tpu.memory_space<hbm>> -> memref<1x4096xf32, #tpu.memory_space<hbm>>
          %dma_start3A_121 = tpu.memref_squeeze %dma_start3A_120 : memref<1x4096xf32, #tpu.memory_space<hbm>> -> memref<4096xf32, #tpu.memory_space<hbm>>
          tpu.enqueue_dma source(%arg21 : memref<4096xf32, #tpu.memory_space<vmem>>) target(%dma_start3A_121 : memref<4096xf32, #tpu.memory_space<hbm>>) target_semaphore(%run_scoped3A_115 : memref<!tpu.dma_semaphore, #tpu.memory_space<semaphore_mem>>)
          %dma_wait3A_122 = arith.constant 0 : i32
          %dma_wait3A_123 = tpu.memref_slice %arg12[%sub3A_97, %dma_wait3A_122] : memref<16x4096xf32, #tpu.memory_space<hbm>> -> memref<1x4096xf32, #tpu.memory_space<hbm>>
          %dma_wait3A_124 = tpu.memref_squeeze %dma_wait3A_123 : memref<1x4096xf32, #tpu.memory_space<hbm>> -> memref<4096xf32, #tpu.memory_space<hbm>>
          %dma_wait3A_125 = arith.constant 0 : i32
          %dma_wait3A_126 = tpu.memref_slice %arg12[%sub3A_97, %dma_wait3A_125] : memref<16x4096xf32, #tpu.memory_space<hbm>> -> memref<1x4096xf32, #tpu.memory_space<hbm>>
          %dma_wait3A_127 = tpu.memref_squeeze %dma_wait3A_126 : memref<1x4096xf32, #tpu.memory_space<hbm>> -> memref<4096xf32, #tpu.memory_space<hbm>>
          tpu.wait_dma2 semaphore(%run_scoped3A_115 : memref<!tpu.dma_semaphore, #tpu.memory_space<semaphore_mem>>) src(%arg21 : memref<4096xf32, #tpu.memory_space<vmem>>) dst(%dma_wait3A_127 : memref<4096xf32, #tpu.memory_space<hbm>>)
          tpu.yield
        }) : () -> ()
        %while3A_114 = arith.constant 0 : i32
        scf.yield %while3A_114 : i32
      }
    } else {
    }
    %lt3A_18 = arith.constant 64 : i32
    %lt3A_19 = arith.cmpi slt, %mul3A_2, %lt3A_18 : i32
    %add3A_20 = arith.constant 7 : i32
    %add3A_21 = arith.addi %mul3A_2, %add3A_20 : i32
    %gt3A_22 = arith.constant 32 : i32
    %gt3A_23 = arith.cmpi sgt, %add3A_21, %gt3A_22 : i32
    %and3A_24 = arith.andi %lt3A_19, %gt3A_23 : i1
    %convert_element_type3A_25 = arith.extui %and3A_24 : i1 to i32
    %cond3A_26 = arith.constant 0 : i32
    %cond3A_27 = arith.cmpi ne, %convert_element_type3A_25, %cond3A_26 : i32
    scf.if %cond3A_27 {
      %run_scoped3A = arith.constant 2 : i32
      "tpu.region"() ({
        %run_scoped3A_93 = tpu.sem_alloc : memref<!tpu.dma_semaphore, #tpu.memory_space<semaphore_mem>>
        %dma_start3A = arith.constant 0 : i32
        %dma_start3A_94 = tpu.memref_slice %arg2[%run_scoped3A, %dma_start3A] : memref<8x4096xi32, #tpu.memory_space<hbm>> -> memref<1x4096xi32, #tpu.memory_space<hbm>>
        %dma_start3A_95 = tpu.memref_squeeze %dma_start3A_94 : memref<1x4096xi32, #tpu.memory_space<hbm>> -> memref<4096xi32, #tpu.memory_space<hbm>>
        %dma_start3A_96 = arith.constant 0 : i32
        %dma_start3A_97 = tpu.memref_slice %arg2[%run_scoped3A, %dma_start3A_96] : memref<8x4096xi32, #tpu.memory_space<hbm>> -> memref<1x4096xi32, #tpu.memory_space<hbm>>
        %dma_start3A_98 = tpu.memref_squeeze %dma_start3A_97 : memref<1x4096xi32, #tpu.memory_space<hbm>> -> memref<4096xi32, #tpu.memory_space<hbm>>
        tpu.enqueue_dma source(%dma_start3A_98 : memref<4096xi32, #tpu.memory_space<hbm>>) target(%arg20 : memref<4096xi32, #tpu.memory_space<vmem>>) target_semaphore(%run_scoped3A_93 : memref<!tpu.dma_semaphore, #tpu.memory_space<semaphore_mem>>)
        %dma_wait3A = arith.constant 0 : i32
        %dma_wait3A_99 = tpu.memref_slice %arg2[%run_scoped3A, %dma_wait3A] : memref<8x4096xi32, #tpu.memory_space<hbm>> -> memref<1x4096xi32, #tpu.memory_space<hbm>>
        %dma_wait3A_100 = tpu.memref_squeeze %dma_wait3A_99 : memref<1x4096xi32, #tpu.memory_space<hbm>> -> memref<4096xi32, #tpu.memory_space<hbm>>
        %dma_wait3A_101 = arith.constant 0 : i32
        %dma_wait3A_102 = tpu.memref_slice %arg2[%run_scoped3A, %dma_wait3A_101] : memref<8x4096xi32, #tpu.memory_space<hbm>> -> memref<1x4096xi32, #tpu.memory_space<hbm>>
        %dma_wait3A_103 = tpu.memref_squeeze %dma_wait3A_102 : memref<1x4096xi32, #tpu.memory_space<hbm>> -> memref<4096xi32, #tpu.memory_space<hbm>>
        tpu.wait_dma2 semaphore(%run_scoped3A_93 : memref<!tpu.dma_semaphore, #tpu.memory_space<semaphore_mem>>) src(%dma_wait3A_103 : memref<4096xi32, #tpu.memory_space<hbm>>) dst(%arg20 : memref<4096xi32, #tpu.memory_space<vmem>>)
        tpu.yield
      }) : () -> ()
      %sub3A = arith.constant 32 : i32
      %sub3A_78 = arith.subi %sub3A, %mul3A_2 : i32
      %max3A = arith.constant 0 : i32
      %max3A_79 = arith.maxsi %sub3A_78, %max3A : i32
      %sub3A_80 = arith.constant 64 : i32
      %sub3A_81 = arith.subi %sub3A_80, %mul3A_2 : i32
      %min3A = arith.constant 7 : i32
      %min3A_82 = arith.minsi %sub3A_81, %min3A : i32
      %while3A = arith.constant 0 : i32
      %while3A_83 = arith.subi %min3A_82, %max3A_79 : i32
      %while3A_84 = arith.addi %max3A_79, %while3A_83 : i32
      %while3A_85 = arith.constant 1 : i32
      %while3A_86 = arith.divsi %while3A_83, %while3A_85 : i32
      %while3A_87 = arith.muli %while3A_86, %while3A_85 : i32
      %while3A_88 = arith.addi %max3A_79, %while3A_87 : i32
      %while3A_89 = arith.constant 1 : i32
      %while3A_90 = scf.for %while3A_93 = %max3A_79 to %while3A_88 step %while3A_89 iter_args(%while3A_94 = %while3A) -> (i32)  : i32 {
        %add3A_95 = arith.addi %mul3A_2, %while3A_93 : i32
        %sub3A_96 = arith.constant 32 : i32
        %sub3A_97 = arith.subi %add3A_95, %sub3A_96 : i32
        %dma_start3A = arith.constant 0 : i32
        %dma_start3A_98 = tpu.memref_slice %arg5[%sub3A_97, %dma_start3A] : memref<32x100000xf32, #tpu.memory_space<hbm>> -> memref<1x100000xf32, #tpu.memory_space<hbm>>
        %dma_start3A_99 = tpu.memref_squeeze %dma_start3A_98 : memref<1x100000xf32, #tpu.memory_space<hbm>> -> memref<100000xf32, #tpu.memory_space<hbm>>
        %dma_start3A_100 = arith.constant 0 : i32
        %dma_start3A_101 = tpu.memref_slice %arg5[%sub3A_97, %dma_start3A_100] : memref<32x100000xf32, #tpu.memory_space<hbm>> -> memref<1x100000xf32, #tpu.memory_space<hbm>>
        %dma_start3A_102 = tpu.memref_squeeze %dma_start3A_101 : memref<1x100000xf32, #tpu.memory_space<hbm>> -> memref<100000xf32, #tpu.memory_space<hbm>>
        tpu.enqueue_dma source(%dma_start3A_102 : memref<100000xf32, #tpu.memory_space<hbm>>) target(%arg19 : memref<100000xf32, #tpu.memory_space<vmem>>) target_semaphore(%arg22 : memref<!tpu.dma_semaphore, #tpu.memory_space<semaphore_mem>>)
        %dma_wait3A = arith.constant 0 : i32
        %dma_wait3A_103 = tpu.memref_slice %arg5[%sub3A_97, %dma_wait3A] : memref<32x100000xf32, #tpu.memory_space<hbm>> -> memref<1x100000xf32, #tpu.memory_space<hbm>>
        %dma_wait3A_104 = tpu.memref_squeeze %dma_wait3A_103 : memref<1x100000xf32, #tpu.memory_space<hbm>> -> memref<100000xf32, #tpu.memory_space<hbm>>
        %dma_wait3A_105 = arith.constant 0 : i32
        %dma_wait3A_106 = tpu.memref_slice %arg5[%sub3A_97, %dma_wait3A_105] : memref<32x100000xf32, #tpu.memory_space<hbm>> -> memref<1x100000xf32, #tpu.memory_space<hbm>>
        %dma_wait3A_107 = tpu.memref_squeeze %dma_wait3A_106 : memref<1x100000xf32, #tpu.memory_space<hbm>> -> memref<100000xf32, #tpu.memory_space<hbm>>
        tpu.wait_dma2 semaphore(%arg22 : memref<!tpu.dma_semaphore, #tpu.memory_space<semaphore_mem>>) src(%dma_wait3A_107 : memref<100000xf32, #tpu.memory_space<hbm>>) dst(%arg19 : memref<100000xf32, #tpu.memory_space<vmem>>)
        %scan3A = arith.constant 0 : i32
        %scan3A_108 = arith.constant 0 : i32
        %scan3A_109 = arith.constant 128 : i32
        %scan3A_110 = arith.addi %scan3A_108, %scan3A_109 : i32
        %scan3A_111 = arith.constant 1 : i32
        %scan3A_112 = scf.for %scan3A_115 = %scan3A_108 to %scan3A_110 step %scan3A_111 iter_args(%scan3A_116 = %scan3A) -> (i32)  : i32 {
          %mul3A_117 = arith.constant 2 : i32
          %mul3A_118 = arith.muli %scan3A_115, %mul3A_117 : i32
          %mul3A_119 = arith.constant 16 : i32
          %mul3A_120 = arith.muli %mul3A_118, %mul3A_119 : i32
          %mul3A_121 = arith.constant 2 : i32
          %mul3A_122 = arith.muli %scan3A_115, %mul3A_121 : i32
          %mul3A_123 = arith.constant 16 : i32
          %mul3A_124 = arith.muli %mul3A_122, %mul3A_123 : i32
          %add3A_125 = arith.constant 16 : i32
          %add3A_126 = arith.addi %mul3A_124, %add3A_125 : i32
          %get3A = arith.index_cast %mul3A_120 : i32 to index
          %get3A_127 = tpu.vector_load %arg20[%get3A] {strides = array<i32>} : memref<4096xi32, #tpu.memory_space<vmem>>, vector<16xi32>,
          %gather3A = tpu.vector_load_idx %arg19[%get3A_127] : memref<100000xf32, #tpu.memory_space<vmem>>[vector<16xi32>], vector<16xf32>,
          %swap3A = arith.index_cast %mul3A_120 : i32 to index
          %swap3A_128 = tpu.vector_load %arg21[%swap3A] {strides = array<i32>} : memref<4096xf32, #tpu.memory_space<vmem>>, vector<16xf32>,
          tpu.vector_store %arg21[%swap3A], %gather3A {strides = array<i32>} : memref<4096xf32, #tpu.memory_space<vmem>>, vector<16xf32>,
          %get3A_129 = arith.index_cast %add3A_126 : i32 to index
          %get3A_130 = tpu.vector_load %arg20[%get3A_129] {strides = array<i32>} : memref<4096xi32, #tpu.memory_space<vmem>>, vector<16xi32>,
          %gather3A_131 = tpu.vector_load_idx %arg19[%get3A_130] : memref<100000xf32, #tpu.memory_space<vmem>>[vector<16xi32>], vector<16xf32>,
          %swap3A_132 = arith.index_cast %add3A_126 : i32 to index
          %swap3A_133 = tpu.vector_load %arg21[%swap3A_132] {strides = array<i32>} : memref<4096xf32, #tpu.memory_space<vmem>>, vector<16xf32>,
          tpu.vector_store %arg21[%swap3A_132], %gather3A_131 {strides = array<i32>} : memref<4096xf32, #tpu.memory_space<vmem>>, vector<16xf32>,
          %scan3A_134 = arith.constant 0 : i32
          scf.yield %scan3A_134 : i32
        }
        %scan3A_113 = arith.constant 128 : i32
        "tpu.region"() ({
          %run_scoped3A_115 = tpu.sem_alloc : memref<!tpu.dma_semaphore, #tpu.memory_space<semaphore_mem>>
          %dma_start3A_116 = arith.constant 0 : i32
          %dma_start3A_117 = tpu.memref_slice %arg13[%sub3A_97, %dma_start3A_116] : memref<32x4096xf32, #tpu.memory_space<hbm>> -> memref<1x4096xf32, #tpu.memory_space<hbm>>
          %dma_start3A_118 = tpu.memref_squeeze %dma_start3A_117 : memref<1x4096xf32, #tpu.memory_space<hbm>> -> memref<4096xf32, #tpu.memory_space<hbm>>
          %dma_start3A_119 = arith.constant 0 : i32
          %dma_start3A_120 = tpu.memref_slice %arg13[%sub3A_97, %dma_start3A_119] : memref<32x4096xf32, #tpu.memory_space<hbm>> -> memref<1x4096xf32, #tpu.memory_space<hbm>>
          %dma_start3A_121 = tpu.memref_squeeze %dma_start3A_120 : memref<1x4096xf32, #tpu.memory_space<hbm>> -> memref<4096xf32, #tpu.memory_space<hbm>>
          tpu.enqueue_dma source(%arg21 : memref<4096xf32, #tpu.memory_space<vmem>>) target(%dma_start3A_121 : memref<4096xf32, #tpu.memory_space<hbm>>) target_semaphore(%run_scoped3A_115 : memref<!tpu.dma_semaphore, #tpu.memory_space<semaphore_mem>>)
          %dma_wait3A_122 = arith.constant 0 : i32
          %dma_wait3A_123 = tpu.memref_slice %arg13[%sub3A_97, %dma_wait3A_122] : memref<32x4096xf32, #tpu.memory_space<hbm>> -> memref<1x4096xf32, #tpu.memory_space<hbm>>
          %dma_wait3A_124 = tpu.memref_squeeze %dma_wait3A_123 : memref<1x4096xf32, #tpu.memory_space<hbm>> -> memref<4096xf32, #tpu.memory_space<hbm>>
          %dma_wait3A_125 = arith.constant 0 : i32
          %dma_wait3A_126 = tpu.memref_slice %arg13[%sub3A_97, %dma_wait3A_125] : memref<32x4096xf32, #tpu.memory_space<hbm>> -> memref<1x4096xf32, #tpu.memory_space<hbm>>
          %dma_wait3A_127 = tpu.memref_squeeze %dma_wait3A_126 : memref<1x4096xf32, #tpu.memory_space<hbm>> -> memref<4096xf32, #tpu.memory_space<hbm>>
          tpu.wait_dma2 semaphore(%run_scoped3A_115 : memref<!tpu.dma_semaphore, #tpu.memory_space<semaphore_mem>>) src(%arg21 : memref<4096xf32, #tpu.memory_space<vmem>>) dst(%dma_wait3A_127 : memref<4096xf32, #tpu.memory_space<hbm>>)
          tpu.yield
        }) : () -> ()
        %while3A_114 = arith.constant 0 : i32
        scf.yield %while3A_114 : i32
      }
      %while3A_91 = arith.constant 1 : i32
      %while3A_92 = scf.for %while3A_93 = %while3A_88 to %while3A_84 step %while3A_91 iter_args(%while3A_94 = %while3A_90) -> (i32)  : i32 {
        %add3A_95 = arith.addi %mul3A_2, %while3A_93 : i32
        %sub3A_96 = arith.constant 32 : i32
        %sub3A_97 = arith.subi %add3A_95, %sub3A_96 : i32
        %dma_start3A = arith.constant 0 : i32
        %dma_start3A_98 = tpu.memref_slice %arg5[%sub3A_97, %dma_start3A] : memref<32x100000xf32, #tpu.memory_space<hbm>> -> memref<1x100000xf32, #tpu.memory_space<hbm>>
        %dma_start3A_99 = tpu.memref_squeeze %dma_start3A_98 : memref<1x100000xf32, #tpu.memory_space<hbm>> -> memref<100000xf32, #tpu.memory_space<hbm>>
        %dma_start3A_100 = arith.constant 0 : i32
        %dma_start3A_101 = tpu.memref_slice %arg5[%sub3A_97, %dma_start3A_100] : memref<32x100000xf32, #tpu.memory_space<hbm>> -> memref<1x100000xf32, #tpu.memory_space<hbm>>
        %dma_start3A_102 = tpu.memref_squeeze %dma_start3A_101 : memref<1x100000xf32, #tpu.memory_space<hbm>> -> memref<100000xf32, #tpu.memory_space<hbm>>
        tpu.enqueue_dma source(%dma_start3A_102 : memref<100000xf32, #tpu.memory_space<hbm>>) target(%arg19 : memref<100000xf32, #tpu.memory_space<vmem>>) target_semaphore(%arg22 : memref<!tpu.dma_semaphore, #tpu.memory_space<semaphore_mem>>)
        %dma_wait3A = arith.constant 0 : i32
        %dma_wait3A_103 = tpu.memref_slice %arg5[%sub3A_97, %dma_wait3A] : memref<32x100000xf32, #tpu.memory_space<hbm>> -> memref<1x100000xf32, #tpu.memory_space<hbm>>
        %dma_wait3A_104 = tpu.memref_squeeze %dma_wait3A_103 : memref<1x100000xf32, #tpu.memory_space<hbm>> -> memref<100000xf32, #tpu.memory_space<hbm>>
        %dma_wait3A_105 = arith.constant 0 : i32
        %dma_wait3A_106 = tpu.memref_slice %arg5[%sub3A_97, %dma_wait3A_105] : memref<32x100000xf32, #tpu.memory_space<hbm>> -> memref<1x100000xf32, #tpu.memory_space<hbm>>
        %dma_wait3A_107 = tpu.memref_squeeze %dma_wait3A_106 : memref<1x100000xf32, #tpu.memory_space<hbm>> -> memref<100000xf32, #tpu.memory_space<hbm>>
        tpu.wait_dma2 semaphore(%arg22 : memref<!tpu.dma_semaphore, #tpu.memory_space<semaphore_mem>>) src(%dma_wait3A_107 : memref<100000xf32, #tpu.memory_space<hbm>>) dst(%arg19 : memref<100000xf32, #tpu.memory_space<vmem>>)
        %scan3A = arith.constant 0 : i32
        %scan3A_108 = arith.constant 0 : i32
        %scan3A_109 = arith.constant 128 : i32
        %scan3A_110 = arith.addi %scan3A_108, %scan3A_109 : i32
        %scan3A_111 = arith.constant 1 : i32
        %scan3A_112 = scf.for %scan3A_115 = %scan3A_108 to %scan3A_110 step %scan3A_111 iter_args(%scan3A_116 = %scan3A) -> (i32)  : i32 {
          %mul3A_117 = arith.constant 2 : i32
          %mul3A_118 = arith.muli %scan3A_115, %mul3A_117 : i32
          %mul3A_119 = arith.constant 16 : i32
          %mul3A_120 = arith.muli %mul3A_118, %mul3A_119 : i32
          %mul3A_121 = arith.constant 2 : i32
          %mul3A_122 = arith.muli %scan3A_115, %mul3A_121 : i32
          %mul3A_123 = arith.constant 16 : i32
          %mul3A_124 = arith.muli %mul3A_122, %mul3A_123 : i32
          %add3A_125 = arith.constant 16 : i32
          %add3A_126 = arith.addi %mul3A_124, %add3A_125 : i32
          %get3A = arith.index_cast %mul3A_120 : i32 to index
          %get3A_127 = tpu.vector_load %arg20[%get3A] {strides = array<i32>} : memref<4096xi32, #tpu.memory_space<vmem>>, vector<16xi32>,
          %gather3A = tpu.vector_load_idx %arg19[%get3A_127] : memref<100000xf32, #tpu.memory_space<vmem>>[vector<16xi32>], vector<16xf32>,
          %swap3A = arith.index_cast %mul3A_120 : i32 to index
          %swap3A_128 = tpu.vector_load %arg21[%swap3A] {strides = array<i32>} : memref<4096xf32, #tpu.memory_space<vmem>>, vector<16xf32>,
          tpu.vector_store %arg21[%swap3A], %gather3A {strides = array<i32>} : memref<4096xf32, #tpu.memory_space<vmem>>, vector<16xf32>,
          %get3A_129 = arith.index_cast %add3A_126 : i32 to index
          %get3A_130 = tpu.vector_load %arg20[%get3A_129] {strides = array<i32>} : memref<4096xi32, #tpu.memory_space<vmem>>, vector<16xi32>,
          %gather3A_131 = tpu.vector_load_idx %arg19[%get3A_130] : memref<100000xf32, #tpu.memory_space<vmem>>[vector<16xi32>], vector<16xf32>,
          %swap3A_132 = arith.index_cast %add3A_126 : i32 to index
          %swap3A_133 = tpu.vector_load %arg21[%swap3A_132] {strides = array<i32>} : memref<4096xf32, #tpu.memory_space<vmem>>, vector<16xf32>,
          tpu.vector_store %arg21[%swap3A_132], %gather3A_131 {strides = array<i32>} : memref<4096xf32, #tpu.memory_space<vmem>>, vector<16xf32>,
          %scan3A_134 = arith.constant 0 : i32
          scf.yield %scan3A_134 : i32
        }
        %scan3A_113 = arith.constant 128 : i32
        "tpu.region"() ({
          %run_scoped3A_115 = tpu.sem_alloc : memref<!tpu.dma_semaphore, #tpu.memory_space<semaphore_mem>>
          %dma_start3A_116 = arith.constant 0 : i32
          %dma_start3A_117 = tpu.memref_slice %arg13[%sub3A_97, %dma_start3A_116] : memref<32x4096xf32, #tpu.memory_space<hbm>> -> memref<1x4096xf32, #tpu.memory_space<hbm>>
          %dma_start3A_118 = tpu.memref_squeeze %dma_start3A_117 : memref<1x4096xf32, #tpu.memory_space<hbm>> -> memref<4096xf32, #tpu.memory_space<hbm>>
          %dma_start3A_119 = arith.constant 0 : i32
          %dma_start3A_120 = tpu.memref_slice %arg13[%sub3A_97, %dma_start3A_119] : memref<32x4096xf32, #tpu.memory_space<hbm>> -> memref<1x4096xf32, #tpu.memory_space<hbm>>
          %dma_start3A_121 = tpu.memref_squeeze %dma_start3A_120 : memref<1x4096xf32, #tpu.memory_space<hbm>> -> memref<4096xf32, #tpu.memory_space<hbm>>
          tpu.enqueue_dma source(%arg21 : memref<4096xf32, #tpu.memory_space<vmem>>) target(%dma_start3A_121 : memref<4096xf32, #tpu.memory_space<hbm>>) target_semaphore(%run_scoped3A_115 : memref<!tpu.dma_semaphore, #tpu.memory_space<semaphore_mem>>)
          %dma_wait3A_122 = arith.constant 0 : i32
          %dma_wait3A_123 = tpu.memref_slice %arg13[%sub3A_97, %dma_wait3A_122] : memref<32x4096xf32, #tpu.memory_space<hbm>> -> memref<1x4096xf32, #tpu.memory_space<hbm>>
          %dma_wait3A_124 = tpu.memref_squeeze %dma_wait3A_123 : memref<1x4096xf32, #tpu.memory_space<hbm>> -> memref<4096xf32, #tpu.memory_space<hbm>>
          %dma_wait3A_125 = arith.constant 0 : i32
          %dma_wait3A_126 = tpu.memref_slice %arg13[%sub3A_97, %dma_wait3A_125] : memref<32x4096xf32, #tpu.memory_space<hbm>> -> memref<1x4096xf32, #tpu.memory_space<hbm>>
          %dma_wait3A_127 = tpu.memref_squeeze %dma_wait3A_126 : memref<1x4096xf32, #tpu.memory_space<hbm>> -> memref<4096xf32, #tpu.memory_space<hbm>>
          tpu.wait_dma2 semaphore(%run_scoped3A_115 : memref<!tpu.dma_semaphore, #tpu.memory_space<semaphore_mem>>) src(%arg21 : memref<4096xf32, #tpu.memory_space<vmem>>) dst(%dma_wait3A_127 : memref<4096xf32, #tpu.memory_space<hbm>>)
          tpu.yield
        }) : () -> ()
        %while3A_114 = arith.constant 0 : i32
        scf.yield %while3A_114 : i32
      }
    } else {
    }
    %lt3A_28 = arith.constant 96 : i32
    %lt3A_29 = arith.cmpi slt, %mul3A_2, %lt3A_28 : i32
    %add3A_30 = arith.constant 7 : i32
    %add3A_31 = arith.addi %mul3A_2, %add3A_30 : i32
    %gt3A_32 = arith.constant 64 : i32
    %gt3A_33 = arith.cmpi sgt, %add3A_31, %gt3A_32 : i32
    %and3A_34 = arith.andi %lt3A_29, %gt3A_33 : i1
    %convert_element_type3A_35 = arith.extui %and3A_34 : i1 to i32
    %cond3A_36 = arith.constant 0 : i32
    %cond3A_37 = arith.cmpi ne, %convert_element_type3A_35, %cond3A_36 : i32
    scf.if %cond3A_37 {
      %run_scoped3A = arith.constant 3 : i32
      "tpu.region"() ({
        %run_scoped3A_93 = tpu.sem_alloc : memref<!tpu.dma_semaphore, #tpu.memory_space<semaphore_mem>>
        %dma_start3A = arith.constant 0 : i32
        %dma_start3A_94 = tpu.memref_slice %arg2[%run_scoped3A, %dma_start3A] : memref<8x4096xi32, #tpu.memory_space<hbm>> -> memref<1x4096xi32, #tpu.memory_space<hbm>>
        %dma_start3A_95 = tpu.memref_squeeze %dma_start3A_94 : memref<1x4096xi32, #tpu.memory_space<hbm>> -> memref<4096xi32, #tpu.memory_space<hbm>>
        %dma_start3A_96 = arith.constant 0 : i32
        %dma_start3A_97 = tpu.memref_slice %arg2[%run_scoped3A, %dma_start3A_96] : memref<8x4096xi32, #tpu.memory_space<hbm>> -> memref<1x4096xi32, #tpu.memory_space<hbm>>
        %dma_start3A_98 = tpu.memref_squeeze %dma_start3A_97 : memref<1x4096xi32, #tpu.memory_space<hbm>> -> memref<4096xi32, #tpu.memory_space<hbm>>
        tpu.enqueue_dma source(%dma_start3A_98 : memref<4096xi32, #tpu.memory_space<hbm>>) target(%arg20 : memref<4096xi32, #tpu.memory_space<vmem>>) target_semaphore(%run_scoped3A_93 : memref<!tpu.dma_semaphore, #tpu.memory_space<semaphore_mem>>)
        %dma_wait3A = arith.constant 0 : i32
        %dma_wait3A_99 = tpu.memref_slice %arg2[%run_scoped3A, %dma_wait3A] : memref<8x4096xi32, #tpu.memory_space<hbm>> -> memref<1x4096xi32, #tpu.memory_space<hbm>>
        %dma_wait3A_100 = tpu.memref_squeeze %dma_wait3A_99 : memref<1x4096xi32, #tpu.memory_space<hbm>> -> memref<4096xi32, #tpu.memory_space<hbm>>
        %dma_wait3A_101 = arith.constant 0 : i32
        %dma_wait3A_102 = tpu.memref_slice %arg2[%run_scoped3A, %dma_wait3A_101] : memref<8x4096xi32, #tpu.memory_space<hbm>> -> memref<1x4096xi32, #tpu.memory_space<hbm>>
        %dma_wait3A_103 = tpu.memref_squeeze %dma_wait3A_102 : memref<1x4096xi32, #tpu.memory_space<hbm>> -> memref<4096xi32, #tpu.memory_space<hbm>>
        tpu.wait_dma2 semaphore(%run_scoped3A_93 : memref<!tpu.dma_semaphore, #tpu.memory_space<semaphore_mem>>) src(%dma_wait3A_103 : memref<4096xi32, #tpu.memory_space<hbm>>) dst(%arg20 : memref<4096xi32, #tpu.memory_space<vmem>>)
        tpu.yield
      }) : () -> ()
      %sub3A = arith.constant 64 : i32
      %sub3A_78 = arith.subi %sub3A, %mul3A_2 : i32
      %max3A = arith.constant 0 : i32
      %max3A_79 = arith.maxsi %sub3A_78, %max3A : i32
      %sub3A_80 = arith.constant 96 : i32
      %sub3A_81 = arith.subi %sub3A_80, %mul3A_2 : i32
      %min3A = arith.constant 7 : i32
      %min3A_82 = arith.minsi %sub3A_81, %min3A : i32
      %while3A = arith.constant 0 : i32
      %while3A_83 = arith.subi %min3A_82, %max3A_79 : i32
      %while3A_84 = arith.addi %max3A_79, %while3A_83 : i32
      %while3A_85 = arith.constant 1 : i32
      %while3A_86 = arith.divsi %while3A_83, %while3A_85 : i32
      %while3A_87 = arith.muli %while3A_86, %while3A_85 : i32
      %while3A_88 = arith.addi %max3A_79, %while3A_87 : i32
      %while3A_89 = arith.constant 1 : i32
      %while3A_90 = scf.for %while3A_93 = %max3A_79 to %while3A_88 step %while3A_89 iter_args(%while3A_94 = %while3A) -> (i32)  : i32 {
        %add3A_95 = arith.addi %mul3A_2, %while3A_93 : i32
        %sub3A_96 = arith.constant 64 : i32
        %sub3A_97 = arith.subi %add3A_95, %sub3A_96 : i32
        %dma_start3A = arith.constant 0 : i32
        %dma_start3A_98 = tpu.memref_slice %arg6[%sub3A_97, %dma_start3A] : memref<32x100000xf32, #tpu.memory_space<hbm>> -> memref<1x100000xf32, #tpu.memory_space<hbm>>
        %dma_start3A_99 = tpu.memref_squeeze %dma_start3A_98 : memref<1x100000xf32, #tpu.memory_space<hbm>> -> memref<100000xf32, #tpu.memory_space<hbm>>
        %dma_start3A_100 = arith.constant 0 : i32
        %dma_start3A_101 = tpu.memref_slice %arg6[%sub3A_97, %dma_start3A_100] : memref<32x100000xf32, #tpu.memory_space<hbm>> -> memref<1x100000xf32, #tpu.memory_space<hbm>>
        %dma_start3A_102 = tpu.memref_squeeze %dma_start3A_101 : memref<1x100000xf32, #tpu.memory_space<hbm>> -> memref<100000xf32, #tpu.memory_space<hbm>>
        tpu.enqueue_dma source(%dma_start3A_102 : memref<100000xf32, #tpu.memory_space<hbm>>) target(%arg19 : memref<100000xf32, #tpu.memory_space<vmem>>) target_semaphore(%arg22 : memref<!tpu.dma_semaphore, #tpu.memory_space<semaphore_mem>>)
        %dma_wait3A = arith.constant 0 : i32
        %dma_wait3A_103 = tpu.memref_slice %arg6[%sub3A_97, %dma_wait3A] : memref<32x100000xf32, #tpu.memory_space<hbm>> -> memref<1x100000xf32, #tpu.memory_space<hbm>>
        %dma_wait3A_104 = tpu.memref_squeeze %dma_wait3A_103 : memref<1x100000xf32, #tpu.memory_space<hbm>> -> memref<100000xf32, #tpu.memory_space<hbm>>
        %dma_wait3A_105 = arith.constant 0 : i32
        %dma_wait3A_106 = tpu.memref_slice %arg6[%sub3A_97, %dma_wait3A_105] : memref<32x100000xf32, #tpu.memory_space<hbm>> -> memref<1x100000xf32, #tpu.memory_space<hbm>>
        %dma_wait3A_107 = tpu.memref_squeeze %dma_wait3A_106 : memref<1x100000xf32, #tpu.memory_space<hbm>> -> memref<100000xf32, #tpu.memory_space<hbm>>
        tpu.wait_dma2 semaphore(%arg22 : memref<!tpu.dma_semaphore, #tpu.memory_space<semaphore_mem>>) src(%dma_wait3A_107 : memref<100000xf32, #tpu.memory_space<hbm>>) dst(%arg19 : memref<100000xf32, #tpu.memory_space<vmem>>)
        %scan3A = arith.constant 0 : i32
        %scan3A_108 = arith.constant 0 : i32
        %scan3A_109 = arith.constant 128 : i32
        %scan3A_110 = arith.addi %scan3A_108, %scan3A_109 : i32
        %scan3A_111 = arith.constant 1 : i32
        %scan3A_112 = scf.for %scan3A_115 = %scan3A_108 to %scan3A_110 step %scan3A_111 iter_args(%scan3A_116 = %scan3A) -> (i32)  : i32 {
          %mul3A_117 = arith.constant 2 : i32
          %mul3A_118 = arith.muli %scan3A_115, %mul3A_117 : i32
          %mul3A_119 = arith.constant 16 : i32
          %mul3A_120 = arith.muli %mul3A_118, %mul3A_119 : i32
          %mul3A_121 = arith.constant 2 : i32
          %mul3A_122 = arith.muli %scan3A_115, %mul3A_121 : i32
          %mul3A_123 = arith.constant 16 : i32
          %mul3A_124 = arith.muli %mul3A_122, %mul3A_123 : i32
          %add3A_125 = arith.constant 16 : i32
          %add3A_126 = arith.addi %mul3A_124, %add3A_125 : i32
          %get3A = arith.index_cast %mul3A_120 : i32 to index
          %get3A_127 = tpu.vector_load %arg20[%get3A] {strides = array<i32>} : memref<4096xi32, #tpu.memory_space<vmem>>, vector<16xi32>,
          %gather3A = tpu.vector_load_idx %arg19[%get3A_127] : memref<100000xf32, #tpu.memory_space<vmem>>[vector<16xi32>], vector<16xf32>,
          %swap3A = arith.index_cast %mul3A_120 : i32 to index
          %swap3A_128 = tpu.vector_load %arg21[%swap3A] {strides = array<i32>} : memref<4096xf32, #tpu.memory_space<vmem>>, vector<16xf32>,
          tpu.vector_store %arg21[%swap3A], %gather3A {strides = array<i32>} : memref<4096xf32, #tpu.memory_space<vmem>>, vector<16xf32>,
          %get3A_129 = arith.index_cast %add3A_126 : i32 to index
          %get3A_130 = tpu.vector_load %arg20[%get3A_129] {strides = array<i32>} : memref<4096xi32, #tpu.memory_space<vmem>>, vector<16xi32>,
          %gather3A_131 = tpu.vector_load_idx %arg19[%get3A_130] : memref<100000xf32, #tpu.memory_space<vmem>>[vector<16xi32>], vector<16xf32>,
          %swap3A_132 = arith.index_cast %add3A_126 : i32 to index
          %swap3A_133 = tpu.vector_load %arg21[%swap3A_132] {strides = array<i32>} : memref<4096xf32, #tpu.memory_space<vmem>>, vector<16xf32>,
          tpu.vector_store %arg21[%swap3A_132], %gather3A_131 {strides = array<i32>} : memref<4096xf32, #tpu.memory_space<vmem>>, vector<16xf32>,
          %scan3A_134 = arith.constant 0 : i32
          scf.yield %scan3A_134 : i32
        }
        %scan3A_113 = arith.constant 128 : i32
        "tpu.region"() ({
          %run_scoped3A_115 = tpu.sem_alloc : memref<!tpu.dma_semaphore, #tpu.memory_space<semaphore_mem>>
          %dma_start3A_116 = arith.constant 0 : i32
          %dma_start3A_117 = tpu.memref_slice %arg14[%sub3A_97, %dma_start3A_116] : memref<32x4096xf32, #tpu.memory_space<hbm>> -> memref<1x4096xf32, #tpu.memory_space<hbm>>
          %dma_start3A_118 = tpu.memref_squeeze %dma_start3A_117 : memref<1x4096xf32, #tpu.memory_space<hbm>> -> memref<4096xf32, #tpu.memory_space<hbm>>
          %dma_start3A_119 = arith.constant 0 : i32
          %dma_start3A_120 = tpu.memref_slice %arg14[%sub3A_97, %dma_start3A_119] : memref<32x4096xf32, #tpu.memory_space<hbm>> -> memref<1x4096xf32, #tpu.memory_space<hbm>>
          %dma_start3A_121 = tpu.memref_squeeze %dma_start3A_120 : memref<1x4096xf32, #tpu.memory_space<hbm>> -> memref<4096xf32, #tpu.memory_space<hbm>>
          tpu.enqueue_dma source(%arg21 : memref<4096xf32, #tpu.memory_space<vmem>>) target(%dma_start3A_121 : memref<4096xf32, #tpu.memory_space<hbm>>) target_semaphore(%run_scoped3A_115 : memref<!tpu.dma_semaphore, #tpu.memory_space<semaphore_mem>>)
          %dma_wait3A_122 = arith.constant 0 : i32
          %dma_wait3A_123 = tpu.memref_slice %arg14[%sub3A_97, %dma_wait3A_122] : memref<32x4096xf32, #tpu.memory_space<hbm>> -> memref<1x4096xf32, #tpu.memory_space<hbm>>
          %dma_wait3A_124 = tpu.memref_squeeze %dma_wait3A_123 : memref<1x4096xf32, #tpu.memory_space<hbm>> -> memref<4096xf32, #tpu.memory_space<hbm>>
          %dma_wait3A_125 = arith.constant 0 : i32
          %dma_wait3A_126 = tpu.memref_slice %arg14[%sub3A_97, %dma_wait3A_125] : memref<32x4096xf32, #tpu.memory_space<hbm>> -> memref<1x4096xf32, #tpu.memory_space<hbm>>
          %dma_wait3A_127 = tpu.memref_squeeze %dma_wait3A_126 : memref<1x4096xf32, #tpu.memory_space<hbm>> -> memref<4096xf32, #tpu.memory_space<hbm>>
          tpu.wait_dma2 semaphore(%run_scoped3A_115 : memref<!tpu.dma_semaphore, #tpu.memory_space<semaphore_mem>>) src(%arg21 : memref<4096xf32, #tpu.memory_space<vmem>>) dst(%dma_wait3A_127 : memref<4096xf32, #tpu.memory_space<hbm>>)
          tpu.yield
        }) : () -> ()
        %while3A_114 = arith.constant 0 : i32
        scf.yield %while3A_114 : i32
      }
      %while3A_91 = arith.constant 1 : i32
      %while3A_92 = scf.for %while3A_93 = %while3A_88 to %while3A_84 step %while3A_91 iter_args(%while3A_94 = %while3A_90) -> (i32)  : i32 {
        %add3A_95 = arith.addi %mul3A_2, %while3A_93 : i32
        %sub3A_96 = arith.constant 64 : i32
        %sub3A_97 = arith.subi %add3A_95, %sub3A_96 : i32
        %dma_start3A = arith.constant 0 : i32
        %dma_start3A_98 = tpu.memref_slice %arg6[%sub3A_97, %dma_start3A] : memref<32x100000xf32, #tpu.memory_space<hbm>> -> memref<1x100000xf32, #tpu.memory_space<hbm>>
        %dma_start3A_99 = tpu.memref_squeeze %dma_start3A_98 : memref<1x100000xf32, #tpu.memory_space<hbm>> -> memref<100000xf32, #tpu.memory_space<hbm>>
        %dma_start3A_100 = arith.constant 0 : i32
        %dma_start3A_101 = tpu.memref_slice %arg6[%sub3A_97, %dma_start3A_100] : memref<32x100000xf32, #tpu.memory_space<hbm>> -> memref<1x100000xf32, #tpu.memory_space<hbm>>
        %dma_start3A_102 = tpu.memref_squeeze %dma_start3A_101 : memref<1x100000xf32, #tpu.memory_space<hbm>> -> memref<100000xf32, #tpu.memory_space<hbm>>
        tpu.enqueue_dma source(%dma_start3A_102 : memref<100000xf32, #tpu.memory_space<hbm>>) target(%arg19 : memref<100000xf32, #tpu.memory_space<vmem>>) target_semaphore(%arg22 : memref<!tpu.dma_semaphore, #tpu.memory_space<semaphore_mem>>)
        %dma_wait3A = arith.constant 0 : i32
        %dma_wait3A_103 = tpu.memref_slice %arg6[%sub3A_97, %dma_wait3A] : memref<32x100000xf32, #tpu.memory_space<hbm>> -> memref<1x100000xf32, #tpu.memory_space<hbm>>
        %dma_wait3A_104 = tpu.memref_squeeze %dma_wait3A_103 : memref<1x100000xf32, #tpu.memory_space<hbm>> -> memref<100000xf32, #tpu.memory_space<hbm>>
        %dma_wait3A_105 = arith.constant 0 : i32
        %dma_wait3A_106 = tpu.memref_slice %arg6[%sub3A_97, %dma_wait3A_105] : memref<32x100000xf32, #tpu.memory_space<hbm>> -> memref<1x100000xf32, #tpu.memory_space<hbm>>
        %dma_wait3A_107 = tpu.memref_squeeze %dma_wait3A_106 : memref<1x100000xf32, #tpu.memory_space<hbm>> -> memref<100000xf32, #tpu.memory_space<hbm>>
        tpu.wait_dma2 semaphore(%arg22 : memref<!tpu.dma_semaphore, #tpu.memory_space<semaphore_mem>>) src(%dma_wait3A_107 : memref<100000xf32, #tpu.memory_space<hbm>>) dst(%arg19 : memref<100000xf32, #tpu.memory_space<vmem>>)
        %scan3A = arith.constant 0 : i32
        %scan3A_108 = arith.constant 0 : i32
        %scan3A_109 = arith.constant 128 : i32
        %scan3A_110 = arith.addi %scan3A_108, %scan3A_109 : i32
        %scan3A_111 = arith.constant 1 : i32
        %scan3A_112 = scf.for %scan3A_115 = %scan3A_108 to %scan3A_110 step %scan3A_111 iter_args(%scan3A_116 = %scan3A) -> (i32)  : i32 {
          %mul3A_117 = arith.constant 2 : i32
          %mul3A_118 = arith.muli %scan3A_115, %mul3A_117 : i32
          %mul3A_119 = arith.constant 16 : i32
          %mul3A_120 = arith.muli %mul3A_118, %mul3A_119 : i32
          %mul3A_121 = arith.constant 2 : i32
          %mul3A_122 = arith.muli %scan3A_115, %mul3A_121 : i32
          %mul3A_123 = arith.constant 16 : i32
          %mul3A_124 = arith.muli %mul3A_122, %mul3A_123 : i32
          %add3A_125 = arith.constant 16 : i32
          %add3A_126 = arith.addi %mul3A_124, %add3A_125 : i32
          %get3A = arith.index_cast %mul3A_120 : i32 to index
          %get3A_127 = tpu.vector_load %arg20[%get3A] {strides = array<i32>} : memref<4096xi32, #tpu.memory_space<vmem>>, vector<16xi32>,
          %gather3A = tpu.vector_load_idx %arg19[%get3A_127] : memref<100000xf32, #tpu.memory_space<vmem>>[vector<16xi32>], vector<16xf32>,
          %swap3A = arith.index_cast %mul3A_120 : i32 to index
          %swap3A_128 = tpu.vector_load %arg21[%swap3A] {strides = array<i32>} : memref<4096xf32, #tpu.memory_space<vmem>>, vector<16xf32>,
          tpu.vector_store %arg21[%swap3A], %gather3A {strides = array<i32>} : memref<4096xf32, #tpu.memory_space<vmem>>, vector<16xf32>,
          %get3A_129 = arith.index_cast %add3A_126 : i32 to index
          %get3A_130 = tpu.vector_load %arg20[%get3A_129] {strides = array<i32>} : memref<4096xi32, #tpu.memory_space<vmem>>, vector<16xi32>,
          %gather3A_131 = tpu.vector_load_idx %arg19[%get3A_130] : memref<100000xf32, #tpu.memory_space<vmem>>[vector<16xi32>], vector<16xf32>,
          %swap3A_132 = arith.index_cast %add3A_126 : i32 to index
          %swap3A_133 = tpu.vector_load %arg21[%swap3A_132] {strides = array<i32>} : memref<4096xf32, #tpu.memory_space<vmem>>, vector<16xf32>,
          tpu.vector_store %arg21[%swap3A_132], %gather3A_131 {strides = array<i32>} : memref<4096xf32, #tpu.memory_space<vmem>>, vector<16xf32>,
          %scan3A_134 = arith.constant 0 : i32
          scf.yield %scan3A_134 : i32
        }
        %scan3A_113 = arith.constant 128 : i32
        "tpu.region"() ({
          %run_scoped3A_115 = tpu.sem_alloc : memref<!tpu.dma_semaphore, #tpu.memory_space<semaphore_mem>>
          %dma_start3A_116 = arith.constant 0 : i32
          %dma_start3A_117 = tpu.memref_slice %arg14[%sub3A_97, %dma_start3A_116] : memref<32x4096xf32, #tpu.memory_space<hbm>> -> memref<1x4096xf32, #tpu.memory_space<hbm>>
          %dma_start3A_118 = tpu.memref_squeeze %dma_start3A_117 : memref<1x4096xf32, #tpu.memory_space<hbm>> -> memref<4096xf32, #tpu.memory_space<hbm>>
          %dma_start3A_119 = arith.constant 0 : i32
          %dma_start3A_120 = tpu.memref_slice %arg14[%sub3A_97, %dma_start3A_119] : memref<32x4096xf32, #tpu.memory_space<hbm>> -> memref<1x4096xf32, #tpu.memory_space<hbm>>
          %dma_start3A_121 = tpu.memref_squeeze %dma_start3A_120 : memref<1x4096xf32, #tpu.memory_space<hbm>> -> memref<4096xf32, #tpu.memory_space<hbm>>
          tpu.enqueue_dma source(%arg21 : memref<4096xf32, #tpu.memory_space<vmem>>) target(%dma_start3A_121 : memref<4096xf32, #tpu.memory_space<hbm>>) target_semaphore(%run_scoped3A_115 : memref<!tpu.dma_semaphore, #tpu.memory_space<semaphore_mem>>)
          %dma_wait3A_122 = arith.constant 0 : i32
          %dma_wait3A_123 = tpu.memref_slice %arg14[%sub3A_97, %dma_wait3A_122] : memref<32x4096xf32, #tpu.memory_space<hbm>> -> memref<1x4096xf32, #tpu.memory_space<hbm>>
          %dma_wait3A_124 = tpu.memref_squeeze %dma_wait3A_123 : memref<1x4096xf32, #tpu.memory_space<hbm>> -> memref<4096xf32, #tpu.memory_space<hbm>>
          %dma_wait3A_125 = arith.constant 0 : i32
          %dma_wait3A_126 = tpu.memref_slice %arg14[%sub3A_97, %dma_wait3A_125] : memref<32x4096xf32, #tpu.memory_space<hbm>> -> memref<1x4096xf32, #tpu.memory_space<hbm>>
          %dma_wait3A_127 = tpu.memref_squeeze %dma_wait3A_126 : memref<1x4096xf32, #tpu.memory_space<hbm>> -> memref<4096xf32, #tpu.memory_space<hbm>>
          tpu.wait_dma2 semaphore(%run_scoped3A_115 : memref<!tpu.dma_semaphore, #tpu.memory_space<semaphore_mem>>) src(%arg21 : memref<4096xf32, #tpu.memory_space<vmem>>) dst(%dma_wait3A_127 : memref<4096xf32, #tpu.memory_space<hbm>>)
          tpu.yield
        }) : () -> ()
        %while3A_114 = arith.constant 0 : i32
        scf.yield %while3A_114 : i32
      }
    } else {
    }
    %lt3A_38 = arith.constant 128 : i32
    %lt3A_39 = arith.cmpi slt, %mul3A_2, %lt3A_38 : i32
    %add3A_40 = arith.constant 7 : i32
    %add3A_41 = arith.addi %mul3A_2, %add3A_40 : i32
    %gt3A_42 = arith.constant 96 : i32
    %gt3A_43 = arith.cmpi sgt, %add3A_41, %gt3A_42 : i32
    %and3A_44 = arith.andi %lt3A_39, %gt3A_43 : i1
    %convert_element_type3A_45 = arith.extui %and3A_44 : i1 to i32
    %cond3A_46 = arith.constant 0 : i32
    %cond3A_47 = arith.cmpi ne, %convert_element_type3A_45, %cond3A_46 : i32
    scf.if %cond3A_47 {
      %run_scoped3A = arith.constant 4 : i32
      "tpu.region"() ({
        %run_scoped3A_93 = tpu.sem_alloc : memref<!tpu.dma_semaphore, #tpu.memory_space<semaphore_mem>>
        %dma_start3A = arith.constant 0 : i32
        %dma_start3A_94 = tpu.memref_slice %arg2[%run_scoped3A, %dma_start3A] : memref<8x4096xi32, #tpu.memory_space<hbm>> -> memref<1x4096xi32, #tpu.memory_space<hbm>>
        %dma_start3A_95 = tpu.memref_squeeze %dma_start3A_94 : memref<1x4096xi32, #tpu.memory_space<hbm>> -> memref<4096xi32, #tpu.memory_space<hbm>>
        %dma_start3A_96 = arith.constant 0 : i32
        %dma_start3A_97 = tpu.memref_slice %arg2[%run_scoped3A, %dma_start3A_96] : memref<8x4096xi32, #tpu.memory_space<hbm>> -> memref<1x4096xi32, #tpu.memory_space<hbm>>
        %dma_start3A_98 = tpu.memref_squeeze %dma_start3A_97 : memref<1x4096xi32, #tpu.memory_space<hbm>> -> memref<4096xi32, #tpu.memory_space<hbm>>
        tpu.enqueue_dma source(%dma_start3A_98 : memref<4096xi32, #tpu.memory_space<hbm>>) target(%arg20 : memref<4096xi32, #tpu.memory_space<vmem>>) target_semaphore(%run_scoped3A_93 : memref<!tpu.dma_semaphore, #tpu.memory_space<semaphore_mem>>)
        %dma_wait3A = arith.constant 0 : i32
        %dma_wait3A_99 = tpu.memref_slice %arg2[%run_scoped3A, %dma_wait3A] : memref<8x4096xi32, #tpu.memory_space<hbm>> -> memref<1x4096xi32, #tpu.memory_space<hbm>>
        %dma_wait3A_100 = tpu.memref_squeeze %dma_wait3A_99 : memref<1x4096xi32, #tpu.memory_space<hbm>> -> memref<4096xi32, #tpu.memory_space<hbm>>
        %dma_wait3A_101 = arith.constant 0 : i32
        %dma_wait3A_102 = tpu.memref_slice %arg2[%run_scoped3A, %dma_wait3A_101] : memref<8x4096xi32, #tpu.memory_space<hbm>> -> memref<1x4096xi32, #tpu.memory_space<hbm>>
        %dma_wait3A_103 = tpu.memref_squeeze %dma_wait3A_102 : memref<1x4096xi32, #tpu.memory_space<hbm>> -> memref<4096xi32, #tpu.memory_space<hbm>>
        tpu.wait_dma2 semaphore(%run_scoped3A_93 : memref<!tpu.dma_semaphore, #tpu.memory_space<semaphore_mem>>) src(%dma_wait3A_103 : memref<4096xi32, #tpu.memory_space<hbm>>) dst(%arg20 : memref<4096xi32, #tpu.memory_space<vmem>>)
        tpu.yield
      }) : () -> ()
      %sub3A = arith.constant 96 : i32
      %sub3A_78 = arith.subi %sub3A, %mul3A_2 : i32
      %max3A = arith.constant 0 : i32
      %max3A_79 = arith.maxsi %sub3A_78, %max3A : i32
      %sub3A_80 = arith.constant 128 : i32
      %sub3A_81 = arith.subi %sub3A_80, %mul3A_2 : i32
      %min3A = arith.constant 7 : i32
      %min3A_82 = arith.minsi %sub3A_81, %min3A : i32
      %while3A = arith.constant 0 : i32
      %while3A_83 = arith.subi %min3A_82, %max3A_79 : i32
      %while3A_84 = arith.addi %max3A_79, %while3A_83 : i32
      %while3A_85 = arith.constant 1 : i32
      %while3A_86 = arith.divsi %while3A_83, %while3A_85 : i32
      %while3A_87 = arith.muli %while3A_86, %while3A_85 : i32
      %while3A_88 = arith.addi %max3A_79, %while3A_87 : i32
      %while3A_89 = arith.constant 1 : i32
      %while3A_90 = scf.for %while3A_93 = %max3A_79 to %while3A_88 step %while3A_89 iter_args(%while3A_94 = %while3A) -> (i32)  : i32 {
        %add3A_95 = arith.addi %mul3A_2, %while3A_93 : i32
        %sub3A_96 = arith.constant 96 : i32
        %sub3A_97 = arith.subi %add3A_95, %sub3A_96 : i32
        %dma_start3A = arith.constant 0 : i32
        %dma_start3A_98 = tpu.memref_slice %arg7[%sub3A_97, %dma_start3A] : memref<32x100000xf32, #tpu.memory_space<hbm>> -> memref<1x100000xf32, #tpu.memory_space<hbm>>
        %dma_start3A_99 = tpu.memref_squeeze %dma_start3A_98 : memref<1x100000xf32, #tpu.memory_space<hbm>> -> memref<100000xf32, #tpu.memory_space<hbm>>
        %dma_start3A_100 = arith.constant 0 : i32
        %dma_start3A_101 = tpu.memref_slice %arg7[%sub3A_97, %dma_start3A_100] : memref<32x100000xf32, #tpu.memory_space<hbm>> -> memref<1x100000xf32, #tpu.memory_space<hbm>>
        %dma_start3A_102 = tpu.memref_squeeze %dma_start3A_101 : memref<1x100000xf32, #tpu.memory_space<hbm>> -> memref<100000xf32, #tpu.memory_space<hbm>>
        tpu.enqueue_dma source(%dma_start3A_102 : memref<100000xf32, #tpu.memory_space<hbm>>) target(%arg19 : memref<100000xf32, #tpu.memory_space<vmem>>) target_semaphore(%arg22 : memref<!tpu.dma_semaphore, #tpu.memory_space<semaphore_mem>>)
        %dma_wait3A = arith.constant 0 : i32
        %dma_wait3A_103 = tpu.memref_slice %arg7[%sub3A_97, %dma_wait3A] : memref<32x100000xf32, #tpu.memory_space<hbm>> -> memref<1x100000xf32, #tpu.memory_space<hbm>>
        %dma_wait3A_104 = tpu.memref_squeeze %dma_wait3A_103 : memref<1x100000xf32, #tpu.memory_space<hbm>> -> memref<100000xf32, #tpu.memory_space<hbm>>
        %dma_wait3A_105 = arith.constant 0 : i32
        %dma_wait3A_106 = tpu.memref_slice %arg7[%sub3A_97, %dma_wait3A_105] : memref<32x100000xf32, #tpu.memory_space<hbm>> -> memref<1x100000xf32, #tpu.memory_space<hbm>>
        %dma_wait3A_107 = tpu.memref_squeeze %dma_wait3A_106 : memref<1x100000xf32, #tpu.memory_space<hbm>> -> memref<100000xf32, #tpu.memory_space<hbm>>
        tpu.wait_dma2 semaphore(%arg22 : memref<!tpu.dma_semaphore, #tpu.memory_space<semaphore_mem>>) src(%dma_wait3A_107 : memref<100000xf32, #tpu.memory_space<hbm>>) dst(%arg19 : memref<100000xf32, #tpu.memory_space<vmem>>)
        %scan3A = arith.constant 0 : i32
        %scan3A_108 = arith.constant 0 : i32
        %scan3A_109 = arith.constant 128 : i32
        %scan3A_110 = arith.addi %scan3A_108, %scan3A_109 : i32
        %scan3A_111 = arith.constant 1 : i32
        %scan3A_112 = scf.for %scan3A_115 = %scan3A_108 to %scan3A_110 step %scan3A_111 iter_args(%scan3A_116 = %scan3A) -> (i32)  : i32 {
          %mul3A_117 = arith.constant 2 : i32
          %mul3A_118 = arith.muli %scan3A_115, %mul3A_117 : i32
          %mul3A_119 = arith.constant 16 : i32
          %mul3A_120 = arith.muli %mul3A_118, %mul3A_119 : i32
          %mul3A_121 = arith.constant 2 : i32
          %mul3A_122 = arith.muli %scan3A_115, %mul3A_121 : i32
          %mul3A_123 = arith.constant 16 : i32
          %mul3A_124 = arith.muli %mul3A_122, %mul3A_123 : i32
          %add3A_125 = arith.constant 16 : i32
          %add3A_126 = arith.addi %mul3A_124, %add3A_125 : i32
          %get3A = arith.index_cast %mul3A_120 : i32 to index
          %get3A_127 = tpu.vector_load %arg20[%get3A] {strides = array<i32>} : memref<4096xi32, #tpu.memory_space<vmem>>, vector<16xi32>,
          %gather3A = tpu.vector_load_idx %arg19[%get3A_127] : memref<100000xf32, #tpu.memory_space<vmem>>[vector<16xi32>], vector<16xf32>,
          %swap3A = arith.index_cast %mul3A_120 : i32 to index
          %swap3A_128 = tpu.vector_load %arg21[%swap3A] {strides = array<i32>} : memref<4096xf32, #tpu.memory_space<vmem>>, vector<16xf32>,
          tpu.vector_store %arg21[%swap3A], %gather3A {strides = array<i32>} : memref<4096xf32, #tpu.memory_space<vmem>>, vector<16xf32>,
          %get3A_129 = arith.index_cast %add3A_126 : i32 to index
          %get3A_130 = tpu.vector_load %arg20[%get3A_129] {strides = array<i32>} : memref<4096xi32, #tpu.memory_space<vmem>>, vector<16xi32>,
          %gather3A_131 = tpu.vector_load_idx %arg19[%get3A_130] : memref<100000xf32, #tpu.memory_space<vmem>>[vector<16xi32>], vector<16xf32>,
          %swap3A_132 = arith.index_cast %add3A_126 : i32 to index
          %swap3A_133 = tpu.vector_load %arg21[%swap3A_132] {strides = array<i32>} : memref<4096xf32, #tpu.memory_space<vmem>>, vector<16xf32>,
          tpu.vector_store %arg21[%swap3A_132], %gather3A_131 {strides = array<i32>} : memref<4096xf32, #tpu.memory_space<vmem>>, vector<16xf32>,
          %scan3A_134 = arith.constant 0 : i32
          scf.yield %scan3A_134 : i32
        }
        %scan3A_113 = arith.constant 128 : i32
        "tpu.region"() ({
          %run_scoped3A_115 = tpu.sem_alloc : memref<!tpu.dma_semaphore, #tpu.memory_space<semaphore_mem>>
          %dma_start3A_116 = arith.constant 0 : i32
          %dma_start3A_117 = tpu.memref_slice %arg15[%sub3A_97, %dma_start3A_116] : memref<32x4096xf32, #tpu.memory_space<hbm>> -> memref<1x4096xf32, #tpu.memory_space<hbm>>
          %dma_start3A_118 = tpu.memref_squeeze %dma_start3A_117 : memref<1x4096xf32, #tpu.memory_space<hbm>> -> memref<4096xf32, #tpu.memory_space<hbm>>
          %dma_start3A_119 = arith.constant 0 : i32
          %dma_start3A_120 = tpu.memref_slice %arg15[%sub3A_97, %dma_start3A_119] : memref<32x4096xf32, #tpu.memory_space<hbm>> -> memref<1x4096xf32, #tpu.memory_space<hbm>>
          %dma_start3A_121 = tpu.memref_squeeze %dma_start3A_120 : memref<1x4096xf32, #tpu.memory_space<hbm>> -> memref<4096xf32, #tpu.memory_space<hbm>>
          tpu.enqueue_dma source(%arg21 : memref<4096xf32, #tpu.memory_space<vmem>>) target(%dma_start3A_121 : memref<4096xf32, #tpu.memory_space<hbm>>) target_semaphore(%run_scoped3A_115 : memref<!tpu.dma_semaphore, #tpu.memory_space<semaphore_mem>>)
          %dma_wait3A_122 = arith.constant 0 : i32
          %dma_wait3A_123 = tpu.memref_slice %arg15[%sub3A_97, %dma_wait3A_122] : memref<32x4096xf32, #tpu.memory_space<hbm>> -> memref<1x4096xf32, #tpu.memory_space<hbm>>
          %dma_wait3A_124 = tpu.memref_squeeze %dma_wait3A_123 : memref<1x4096xf32, #tpu.memory_space<hbm>> -> memref<4096xf32, #tpu.memory_space<hbm>>
          %dma_wait3A_125 = arith.constant 0 : i32
          %dma_wait3A_126 = tpu.memref_slice %arg15[%sub3A_97, %dma_wait3A_125] : memref<32x4096xf32, #tpu.memory_space<hbm>> -> memref<1x4096xf32, #tpu.memory_space<hbm>>
          %dma_wait3A_127 = tpu.memref_squeeze %dma_wait3A_126 : memref<1x4096xf32, #tpu.memory_space<hbm>> -> memref<4096xf32, #tpu.memory_space<hbm>>
          tpu.wait_dma2 semaphore(%run_scoped3A_115 : memref<!tpu.dma_semaphore, #tpu.memory_space<semaphore_mem>>) src(%arg21 : memref<4096xf32, #tpu.memory_space<vmem>>) dst(%dma_wait3A_127 : memref<4096xf32, #tpu.memory_space<hbm>>)
          tpu.yield
        }) : () -> ()
        %while3A_114 = arith.constant 0 : i32
        scf.yield %while3A_114 : i32
      }
      %while3A_91 = arith.constant 1 : i32
      %while3A_92 = scf.for %while3A_93 = %while3A_88 to %while3A_84 step %while3A_91 iter_args(%while3A_94 = %while3A_90) -> (i32)  : i32 {
        %add3A_95 = arith.addi %mul3A_2, %while3A_93 : i32
        %sub3A_96 = arith.constant 96 : i32
        %sub3A_97 = arith.subi %add3A_95, %sub3A_96 : i32
        %dma_start3A = arith.constant 0 : i32
        %dma_start3A_98 = tpu.memref_slice %arg7[%sub3A_97, %dma_start3A] : memref<32x100000xf32, #tpu.memory_space<hbm>> -> memref<1x100000xf32, #tpu.memory_space<hbm>>
        %dma_start3A_99 = tpu.memref_squeeze %dma_start3A_98 : memref<1x100000xf32, #tpu.memory_space<hbm>> -> memref<100000xf32, #tpu.memory_space<hbm>>
        %dma_start3A_100 = arith.constant 0 : i32
        %dma_start3A_101 = tpu.memref_slice %arg7[%sub3A_97, %dma_start3A_100] : memref<32x100000xf32, #tpu.memory_space<hbm>> -> memref<1x100000xf32, #tpu.memory_space<hbm>>
        %dma_start3A_102 = tpu.memref_squeeze %dma_start3A_101 : memref<1x100000xf32, #tpu.memory_space<hbm>> -> memref<100000xf32, #tpu.memory_space<hbm>>
        tpu.enqueue_dma source(%dma_start3A_102 : memref<100000xf32, #tpu.memory_space<hbm>>) target(%arg19 : memref<100000xf32, #tpu.memory_space<vmem>>) target_semaphore(%arg22 : memref<!tpu.dma_semaphore, #tpu.memory_space<semaphore_mem>>)
        %dma_wait3A = arith.constant 0 : i32
        %dma_wait3A_103 = tpu.memref_slice %arg7[%sub3A_97, %dma_wait3A] : memref<32x100000xf32, #tpu.memory_space<hbm>> -> memref<1x100000xf32, #tpu.memory_space<hbm>>
        %dma_wait3A_104 = tpu.memref_squeeze %dma_wait3A_103 : memref<1x100000xf32, #tpu.memory_space<hbm>> -> memref<100000xf32, #tpu.memory_space<hbm>>
        %dma_wait3A_105 = arith.constant 0 : i32
        %dma_wait3A_106 = tpu.memref_slice %arg7[%sub3A_97, %dma_wait3A_105] : memref<32x100000xf32, #tpu.memory_space<hbm>> -> memref<1x100000xf32, #tpu.memory_space<hbm>>
        %dma_wait3A_107 = tpu.memref_squeeze %dma_wait3A_106 : memref<1x100000xf32, #tpu.memory_space<hbm>> -> memref<100000xf32, #tpu.memory_space<hbm>>
        tpu.wait_dma2 semaphore(%arg22 : memref<!tpu.dma_semaphore, #tpu.memory_space<semaphore_mem>>) src(%dma_wait3A_107 : memref<100000xf32, #tpu.memory_space<hbm>>) dst(%arg19 : memref<100000xf32, #tpu.memory_space<vmem>>)
        %scan3A = arith.constant 0 : i32
        %scan3A_108 = arith.constant 0 : i32
        %scan3A_109 = arith.constant 128 : i32
        %scan3A_110 = arith.addi %scan3A_108, %scan3A_109 : i32
        %scan3A_111 = arith.constant 1 : i32
        %scan3A_112 = scf.for %scan3A_115 = %scan3A_108 to %scan3A_110 step %scan3A_111 iter_args(%scan3A_116 = %scan3A) -> (i32)  : i32 {
          %mul3A_117 = arith.constant 2 : i32
          %mul3A_118 = arith.muli %scan3A_115, %mul3A_117 : i32
          %mul3A_119 = arith.constant 16 : i32
          %mul3A_120 = arith.muli %mul3A_118, %mul3A_119 : i32
          %mul3A_121 = arith.constant 2 : i32
          %mul3A_122 = arith.muli %scan3A_115, %mul3A_121 : i32
          %mul3A_123 = arith.constant 16 : i32
          %mul3A_124 = arith.muli %mul3A_122, %mul3A_123 : i32
          %add3A_125 = arith.constant 16 : i32
          %add3A_126 = arith.addi %mul3A_124, %add3A_125 : i32
          %get3A = arith.index_cast %mul3A_120 : i32 to index
          %get3A_127 = tpu.vector_load %arg20[%get3A] {strides = array<i32>} : memref<4096xi32, #tpu.memory_space<vmem>>, vector<16xi32>,
          %gather3A = tpu.vector_load_idx %arg19[%get3A_127] : memref<100000xf32, #tpu.memory_space<vmem>>[vector<16xi32>], vector<16xf32>,
          %swap3A = arith.index_cast %mul3A_120 : i32 to index
          %swap3A_128 = tpu.vector_load %arg21[%swap3A] {strides = array<i32>} : memref<4096xf32, #tpu.memory_space<vmem>>, vector<16xf32>,
          tpu.vector_store %arg21[%swap3A], %gather3A {strides = array<i32>} : memref<4096xf32, #tpu.memory_space<vmem>>, vector<16xf32>,
          %get3A_129 = arith.index_cast %add3A_126 : i32 to index
          %get3A_130 = tpu.vector_load %arg20[%get3A_129] {strides = array<i32>} : memref<4096xi32, #tpu.memory_space<vmem>>, vector<16xi32>,
          %gather3A_131 = tpu.vector_load_idx %arg19[%get3A_130] : memref<100000xf32, #tpu.memory_space<vmem>>[vector<16xi32>], vector<16xf32>,
          %swap3A_132 = arith.index_cast %add3A_126 : i32 to index
          %swap3A_133 = tpu.vector_load %arg21[%swap3A_132] {strides = array<i32>} : memref<4096xf32, #tpu.memory_space<vmem>>, vector<16xf32>,
          tpu.vector_store %arg21[%swap3A_132], %gather3A_131 {strides = array<i32>} : memref<4096xf32, #tpu.memory_space<vmem>>, vector<16xf32>,
          %scan3A_134 = arith.constant 0 : i32
          scf.yield %scan3A_134 : i32
        }
        %scan3A_113 = arith.constant 128 : i32
        "tpu.region"() ({
          %run_scoped3A_115 = tpu.sem_alloc : memref<!tpu.dma_semaphore, #tpu.memory_space<semaphore_mem>>
          %dma_start3A_116 = arith.constant 0 : i32
          %dma_start3A_117 = tpu.memref_slice %arg15[%sub3A_97, %dma_start3A_116] : memref<32x4096xf32, #tpu.memory_space<hbm>> -> memref<1x4096xf32, #tpu.memory_space<hbm>>
          %dma_start3A_118 = tpu.memref_squeeze %dma_start3A_117 : memref<1x4096xf32, #tpu.memory_space<hbm>> -> memref<4096xf32, #tpu.memory_space<hbm>>
          %dma_start3A_119 = arith.constant 0 : i32
          %dma_start3A_120 = tpu.memref_slice %arg15[%sub3A_97, %dma_start3A_119] : memref<32x4096xf32, #tpu.memory_space<hbm>> -> memref<1x4096xf32, #tpu.memory_space<hbm>>
          %dma_start3A_121 = tpu.memref_squeeze %dma_start3A_120 : memref<1x4096xf32, #tpu.memory_space<hbm>> -> memref<4096xf32, #tpu.memory_space<hbm>>
          tpu.enqueue_dma source(%arg21 : memref<4096xf32, #tpu.memory_space<vmem>>) target(%dma_start3A_121 : memref<4096xf32, #tpu.memory_space<hbm>>) target_semaphore(%run_scoped3A_115 : memref<!tpu.dma_semaphore, #tpu.memory_space<semaphore_mem>>)
          %dma_wait3A_122 = arith.constant 0 : i32
          %dma_wait3A_123 = tpu.memref_slice %arg15[%sub3A_97, %dma_wait3A_122] : memref<32x4096xf32, #tpu.memory_space<hbm>> -> memref<1x4096xf32, #tpu.memory_space<hbm>>
          %dma_wait3A_124 = tpu.memref_squeeze %dma_wait3A_123 : memref<1x4096xf32, #tpu.memory_space<hbm>> -> memref<4096xf32, #tpu.memory_space<hbm>>
          %dma_wait3A_125 = arith.constant 0 : i32
          %dma_wait3A_126 = tpu.memref_slice %arg15[%sub3A_97, %dma_wait3A_125] : memref<32x4096xf32, #tpu.memory_space<hbm>> -> memref<1x4096xf32, #tpu.memory_space<hbm>>
          %dma_wait3A_127 = tpu.memref_squeeze %dma_wait3A_126 : memref<1x4096xf32, #tpu.memory_space<hbm>> -> memref<4096xf32, #tpu.memory_space<hbm>>
          tpu.wait_dma2 semaphore(%run_scoped3A_115 : memref<!tpu.dma_semaphore, #tpu.memory_space<semaphore_mem>>) src(%arg21 : memref<4096xf32, #tpu.memory_space<vmem>>) dst(%dma_wait3A_127 : memref<4096xf32, #tpu.memory_space<hbm>>)
          tpu.yield
        }) : () -> ()
        %while3A_114 = arith.constant 0 : i32
        scf.yield %while3A_114 : i32
      }
    } else {
    }
    %lt3A_48 = arith.constant 160 : i32
    %lt3A_49 = arith.cmpi slt, %mul3A_2, %lt3A_48 : i32
    %add3A_50 = arith.constant 7 : i32
    %add3A_51 = arith.addi %mul3A_2, %add3A_50 : i32
    %gt3A_52 = arith.constant 128 : i32
    %gt3A_53 = arith.cmpi sgt, %add3A_51, %gt3A_52 : i32
    %and3A_54 = arith.andi %lt3A_49, %gt3A_53 : i1
    %convert_element_type3A_55 = arith.extui %and3A_54 : i1 to i32
    %cond3A_56 = arith.constant 0 : i32
    %cond3A_57 = arith.cmpi ne, %convert_element_type3A_55, %cond3A_56 : i32
    scf.if %cond3A_57 {
      %run_scoped3A = arith.constant 5 : i32
      "tpu.region"() ({
        %run_scoped3A_93 = tpu.sem_alloc : memref<!tpu.dma_semaphore, #tpu.memory_space<semaphore_mem>>
        %dma_start3A = arith.constant 0 : i32
        %dma_start3A_94 = tpu.memref_slice %arg2[%run_scoped3A, %dma_start3A] : memref<8x4096xi32, #tpu.memory_space<hbm>> -> memref<1x4096xi32, #tpu.memory_space<hbm>>
        %dma_start3A_95 = tpu.memref_squeeze %dma_start3A_94 : memref<1x4096xi32, #tpu.memory_space<hbm>> -> memref<4096xi32, #tpu.memory_space<hbm>>
        %dma_start3A_96 = arith.constant 0 : i32
        %dma_start3A_97 = tpu.memref_slice %arg2[%run_scoped3A, %dma_start3A_96] : memref<8x4096xi32, #tpu.memory_space<hbm>> -> memref<1x4096xi32, #tpu.memory_space<hbm>>
        %dma_start3A_98 = tpu.memref_squeeze %dma_start3A_97 : memref<1x4096xi32, #tpu.memory_space<hbm>> -> memref<4096xi32, #tpu.memory_space<hbm>>
        tpu.enqueue_dma source(%dma_start3A_98 : memref<4096xi32, #tpu.memory_space<hbm>>) target(%arg20 : memref<4096xi32, #tpu.memory_space<vmem>>) target_semaphore(%run_scoped3A_93 : memref<!tpu.dma_semaphore, #tpu.memory_space<semaphore_mem>>)
        %dma_wait3A = arith.constant 0 : i32
        %dma_wait3A_99 = tpu.memref_slice %arg2[%run_scoped3A, %dma_wait3A] : memref<8x4096xi32, #tpu.memory_space<hbm>> -> memref<1x4096xi32, #tpu.memory_space<hbm>>
        %dma_wait3A_100 = tpu.memref_squeeze %dma_wait3A_99 : memref<1x4096xi32, #tpu.memory_space<hbm>> -> memref<4096xi32, #tpu.memory_space<hbm>>
        %dma_wait3A_101 = arith.constant 0 : i32
        %dma_wait3A_102 = tpu.memref_slice %arg2[%run_scoped3A, %dma_wait3A_101] : memref<8x4096xi32, #tpu.memory_space<hbm>> -> memref<1x4096xi32, #tpu.memory_space<hbm>>
        %dma_wait3A_103 = tpu.memref_squeeze %dma_wait3A_102 : memref<1x4096xi32, #tpu.memory_space<hbm>> -> memref<4096xi32, #tpu.memory_space<hbm>>
        tpu.wait_dma2 semaphore(%run_scoped3A_93 : memref<!tpu.dma_semaphore, #tpu.memory_space<semaphore_mem>>) src(%dma_wait3A_103 : memref<4096xi32, #tpu.memory_space<hbm>>) dst(%arg20 : memref<4096xi32, #tpu.memory_space<vmem>>)
        tpu.yield
      }) : () -> ()
      %sub3A = arith.constant 128 : i32
      %sub3A_78 = arith.subi %sub3A, %mul3A_2 : i32
      %max3A = arith.constant 0 : i32
      %max3A_79 = arith.maxsi %sub3A_78, %max3A : i32
      %sub3A_80 = arith.constant 160 : i32
      %sub3A_81 = arith.subi %sub3A_80, %mul3A_2 : i32
      %min3A = arith.constant 7 : i32
      %min3A_82 = arith.minsi %sub3A_81, %min3A : i32
      %while3A = arith.constant 0 : i32
      %while3A_83 = arith.subi %min3A_82, %max3A_79 : i32
      %while3A_84 = arith.addi %max3A_79, %while3A_83 : i32
      %while3A_85 = arith.constant 1 : i32
      %while3A_86 = arith.divsi %while3A_83, %while3A_85 : i32
      %while3A_87 = arith.muli %while3A_86, %while3A_85 : i32
      %while3A_88 = arith.addi %max3A_79, %while3A_87 : i32
      %while3A_89 = arith.constant 1 : i32
      %while3A_90 = scf.for %while3A_93 = %max3A_79 to %while3A_88 step %while3A_89 iter_args(%while3A_94 = %while3A) -> (i32)  : i32 {
        %add3A_95 = arith.addi %mul3A_2, %while3A_93 : i32
        %sub3A_96 = arith.constant 128 : i32
        %sub3A_97 = arith.subi %add3A_95, %sub3A_96 : i32
        %dma_start3A = arith.constant 0 : i32
        %dma_start3A_98 = tpu.memref_slice %arg8[%sub3A_97, %dma_start3A] : memref<32x100000xf32, #tpu.memory_space<hbm>> -> memref<1x100000xf32, #tpu.memory_space<hbm>>
        %dma_start3A_99 = tpu.memref_squeeze %dma_start3A_98 : memref<1x100000xf32, #tpu.memory_space<hbm>> -> memref<100000xf32, #tpu.memory_space<hbm>>
        %dma_start3A_100 = arith.constant 0 : i32
        %dma_start3A_101 = tpu.memref_slice %arg8[%sub3A_97, %dma_start3A_100] : memref<32x100000xf32, #tpu.memory_space<hbm>> -> memref<1x100000xf32, #tpu.memory_space<hbm>>
        %dma_start3A_102 = tpu.memref_squeeze %dma_start3A_101 : memref<1x100000xf32, #tpu.memory_space<hbm>> -> memref<100000xf32, #tpu.memory_space<hbm>>
        tpu.enqueue_dma source(%dma_start3A_102 : memref<100000xf32, #tpu.memory_space<hbm>>) target(%arg19 : memref<100000xf32, #tpu.memory_space<vmem>>) target_semaphore(%arg22 : memref<!tpu.dma_semaphore, #tpu.memory_space<semaphore_mem>>)
        %dma_wait3A = arith.constant 0 : i32
        %dma_wait3A_103 = tpu.memref_slice %arg8[%sub3A_97, %dma_wait3A] : memref<32x100000xf32, #tpu.memory_space<hbm>> -> memref<1x100000xf32, #tpu.memory_space<hbm>>
        %dma_wait3A_104 = tpu.memref_squeeze %dma_wait3A_103 : memref<1x100000xf32, #tpu.memory_space<hbm>> -> memref<100000xf32, #tpu.memory_space<hbm>>
        %dma_wait3A_105 = arith.constant 0 : i32
        %dma_wait3A_106 = tpu.memref_slice %arg8[%sub3A_97, %dma_wait3A_105] : memref<32x100000xf32, #tpu.memory_space<hbm>> -> memref<1x100000xf32, #tpu.memory_space<hbm>>
        %dma_wait3A_107 = tpu.memref_squeeze %dma_wait3A_106 : memref<1x100000xf32, #tpu.memory_space<hbm>> -> memref<100000xf32, #tpu.memory_space<hbm>>
        tpu.wait_dma2 semaphore(%arg22 : memref<!tpu.dma_semaphore, #tpu.memory_space<semaphore_mem>>) src(%dma_wait3A_107 : memref<100000xf32, #tpu.memory_space<hbm>>) dst(%arg19 : memref<100000xf32, #tpu.memory_space<vmem>>)
        %scan3A = arith.constant 0 : i32
        %scan3A_108 = arith.constant 0 : i32
        %scan3A_109 = arith.constant 128 : i32
        %scan3A_110 = arith.addi %scan3A_108, %scan3A_109 : i32
        %scan3A_111 = arith.constant 1 : i32
        %scan3A_112 = scf.for %scan3A_115 = %scan3A_108 to %scan3A_110 step %scan3A_111 iter_args(%scan3A_116 = %scan3A) -> (i32)  : i32 {
          %mul3A_117 = arith.constant 2 : i32
          %mul3A_118 = arith.muli %scan3A_115, %mul3A_117 : i32
          %mul3A_119 = arith.constant 16 : i32
          %mul3A_120 = arith.muli %mul3A_118, %mul3A_119 : i32
          %mul3A_121 = arith.constant 2 : i32
          %mul3A_122 = arith.muli %scan3A_115, %mul3A_121 : i32
          %mul3A_123 = arith.constant 16 : i32
          %mul3A_124 = arith.muli %mul3A_122, %mul3A_123 : i32
          %add3A_125 = arith.constant 16 : i32
          %add3A_126 = arith.addi %mul3A_124, %add3A_125 : i32
          %get3A = arith.index_cast %mul3A_120 : i32 to index
          %get3A_127 = tpu.vector_load %arg20[%get3A] {strides = array<i32>} : memref<4096xi32, #tpu.memory_space<vmem>>, vector<16xi32>,
          %gather3A = tpu.vector_load_idx %arg19[%get3A_127] : memref<100000xf32, #tpu.memory_space<vmem>>[vector<16xi32>], vector<16xf32>,
          %swap3A = arith.index_cast %mul3A_120 : i32 to index
          %swap3A_128 = tpu.vector_load %arg21[%swap3A] {strides = array<i32>} : memref<4096xf32, #tpu.memory_space<vmem>>, vector<16xf32>,
          tpu.vector_store %arg21[%swap3A], %gather3A {strides = array<i32>} : memref<4096xf32, #tpu.memory_space<vmem>>, vector<16xf32>,
          %get3A_129 = arith.index_cast %add3A_126 : i32 to index
          %get3A_130 = tpu.vector_load %arg20[%get3A_129] {strides = array<i32>} : memref<4096xi32, #tpu.memory_space<vmem>>, vector<16xi32>,
          %gather3A_131 = tpu.vector_load_idx %arg19[%get3A_130] : memref<100000xf32, #tpu.memory_space<vmem>>[vector<16xi32>], vector<16xf32>,
          %swap3A_132 = arith.index_cast %add3A_126 : i32 to index
          %swap3A_133 = tpu.vector_load %arg21[%swap3A_132] {strides = array<i32>} : memref<4096xf32, #tpu.memory_space<vmem>>, vector<16xf32>,
          tpu.vector_store %arg21[%swap3A_132], %gather3A_131 {strides = array<i32>} : memref<4096xf32, #tpu.memory_space<vmem>>, vector<16xf32>,
          %scan3A_134 = arith.constant 0 : i32
          scf.yield %scan3A_134 : i32
        }
        %scan3A_113 = arith.constant 128 : i32
        "tpu.region"() ({
          %run_scoped3A_115 = tpu.sem_alloc : memref<!tpu.dma_semaphore, #tpu.memory_space<semaphore_mem>>
          %dma_start3A_116 = arith.constant 0 : i32
          %dma_start3A_117 = tpu.memref_slice %arg16[%sub3A_97, %dma_start3A_116] : memref<32x4096xf32, #tpu.memory_space<hbm>> -> memref<1x4096xf32, #tpu.memory_space<hbm>>
          %dma_start3A_118 = tpu.memref_squeeze %dma_start3A_117 : memref<1x4096xf32, #tpu.memory_space<hbm>> -> memref<4096xf32, #tpu.memory_space<hbm>>
          %dma_start3A_119 = arith.constant 0 : i32
          %dma_start3A_120 = tpu.memref_slice %arg16[%sub3A_97, %dma_start3A_119] : memref<32x4096xf32, #tpu.memory_space<hbm>> -> memref<1x4096xf32, #tpu.memory_space<hbm>>
          %dma_start3A_121 = tpu.memref_squeeze %dma_start3A_120 : memref<1x4096xf32, #tpu.memory_space<hbm>> -> memref<4096xf32, #tpu.memory_space<hbm>>
          tpu.enqueue_dma source(%arg21 : memref<4096xf32, #tpu.memory_space<vmem>>) target(%dma_start3A_121 : memref<4096xf32, #tpu.memory_space<hbm>>) target_semaphore(%run_scoped3A_115 : memref<!tpu.dma_semaphore, #tpu.memory_space<semaphore_mem>>)
          %dma_wait3A_122 = arith.constant 0 : i32
          %dma_wait3A_123 = tpu.memref_slice %arg16[%sub3A_97, %dma_wait3A_122] : memref<32x4096xf32, #tpu.memory_space<hbm>> -> memref<1x4096xf32, #tpu.memory_space<hbm>>
          %dma_wait3A_124 = tpu.memref_squeeze %dma_wait3A_123 : memref<1x4096xf32, #tpu.memory_space<hbm>> -> memref<4096xf32, #tpu.memory_space<hbm>>
          %dma_wait3A_125 = arith.constant 0 : i32
          %dma_wait3A_126 = tpu.memref_slice %arg16[%sub3A_97, %dma_wait3A_125] : memref<32x4096xf32, #tpu.memory_space<hbm>> -> memref<1x4096xf32, #tpu.memory_space<hbm>>
          %dma_wait3A_127 = tpu.memref_squeeze %dma_wait3A_126 : memref<1x4096xf32, #tpu.memory_space<hbm>> -> memref<4096xf32, #tpu.memory_space<hbm>>
          tpu.wait_dma2 semaphore(%run_scoped3A_115 : memref<!tpu.dma_semaphore, #tpu.memory_space<semaphore_mem>>) src(%arg21 : memref<4096xf32, #tpu.memory_space<vmem>>) dst(%dma_wait3A_127 : memref<4096xf32, #tpu.memory_space<hbm>>)
          tpu.yield
        }) : () -> ()
        %while3A_114 = arith.constant 0 : i32
        scf.yield %while3A_114 : i32
      }
      %while3A_91 = arith.constant 1 : i32
      %while3A_92 = scf.for %while3A_93 = %while3A_88 to %while3A_84 step %while3A_91 iter_args(%while3A_94 = %while3A_90) -> (i32)  : i32 {
        %add3A_95 = arith.addi %mul3A_2, %while3A_93 : i32
        %sub3A_96 = arith.constant 128 : i32
        %sub3A_97 = arith.subi %add3A_95, %sub3A_96 : i32
        %dma_start3A = arith.constant 0 : i32
        %dma_start3A_98 = tpu.memref_slice %arg8[%sub3A_97, %dma_start3A] : memref<32x100000xf32, #tpu.memory_space<hbm>> -> memref<1x100000xf32, #tpu.memory_space<hbm>>
        %dma_start3A_99 = tpu.memref_squeeze %dma_start3A_98 : memref<1x100000xf32, #tpu.memory_space<hbm>> -> memref<100000xf32, #tpu.memory_space<hbm>>
        %dma_start3A_100 = arith.constant 0 : i32
        %dma_start3A_101 = tpu.memref_slice %arg8[%sub3A_97, %dma_start3A_100] : memref<32x100000xf32, #tpu.memory_space<hbm>> -> memref<1x100000xf32, #tpu.memory_space<hbm>>
        %dma_start3A_102 = tpu.memref_squeeze %dma_start3A_101 : memref<1x100000xf32, #tpu.memory_space<hbm>> -> memref<100000xf32, #tpu.memory_space<hbm>>
        tpu.enqueue_dma source(%dma_start3A_102 : memref<100000xf32, #tpu.memory_space<hbm>>) target(%arg19 : memref<100000xf32, #tpu.memory_space<vmem>>) target_semaphore(%arg22 : memref<!tpu.dma_semaphore, #tpu.memory_space<semaphore_mem>>)
        %dma_wait3A = arith.constant 0 : i32
        %dma_wait3A_103 = tpu.memref_slice %arg8[%sub3A_97, %dma_wait3A] : memref<32x100000xf32, #tpu.memory_space<hbm>> -> memref<1x100000xf32, #tpu.memory_space<hbm>>
        %dma_wait3A_104 = tpu.memref_squeeze %dma_wait3A_103 : memref<1x100000xf32, #tpu.memory_space<hbm>> -> memref<100000xf32, #tpu.memory_space<hbm>>
        %dma_wait3A_105 = arith.constant 0 : i32
        %dma_wait3A_106 = tpu.memref_slice %arg8[%sub3A_97, %dma_wait3A_105] : memref<32x100000xf32, #tpu.memory_space<hbm>> -> memref<1x100000xf32, #tpu.memory_space<hbm>>
        %dma_wait3A_107 = tpu.memref_squeeze %dma_wait3A_106 : memref<1x100000xf32, #tpu.memory_space<hbm>> -> memref<100000xf32, #tpu.memory_space<hbm>>
        tpu.wait_dma2 semaphore(%arg22 : memref<!tpu.dma_semaphore, #tpu.memory_space<semaphore_mem>>) src(%dma_wait3A_107 : memref<100000xf32, #tpu.memory_space<hbm>>) dst(%arg19 : memref<100000xf32, #tpu.memory_space<vmem>>)
        %scan3A = arith.constant 0 : i32
        %scan3A_108 = arith.constant 0 : i32
        %scan3A_109 = arith.constant 128 : i32
        %scan3A_110 = arith.addi %scan3A_108, %scan3A_109 : i32
        %scan3A_111 = arith.constant 1 : i32
        %scan3A_112 = scf.for %scan3A_115 = %scan3A_108 to %scan3A_110 step %scan3A_111 iter_args(%scan3A_116 = %scan3A) -> (i32)  : i32 {
          %mul3A_117 = arith.constant 2 : i32
          %mul3A_118 = arith.muli %scan3A_115, %mul3A_117 : i32
          %mul3A_119 = arith.constant 16 : i32
          %mul3A_120 = arith.muli %mul3A_118, %mul3A_119 : i32
          %mul3A_121 = arith.constant 2 : i32
          %mul3A_122 = arith.muli %scan3A_115, %mul3A_121 : i32
          %mul3A_123 = arith.constant 16 : i32
          %mul3A_124 = arith.muli %mul3A_122, %mul3A_123 : i32
          %add3A_125 = arith.constant 16 : i32
          %add3A_126 = arith.addi %mul3A_124, %add3A_125 : i32
          %get3A = arith.index_cast %mul3A_120 : i32 to index
          %get3A_127 = tpu.vector_load %arg20[%get3A] {strides = array<i32>} : memref<4096xi32, #tpu.memory_space<vmem>>, vector<16xi32>,
          %gather3A = tpu.vector_load_idx %arg19[%get3A_127] : memref<100000xf32, #tpu.memory_space<vmem>>[vector<16xi32>], vector<16xf32>,
          %swap3A = arith.index_cast %mul3A_120 : i32 to index
          %swap3A_128 = tpu.vector_load %arg21[%swap3A] {strides = array<i32>} : memref<4096xf32, #tpu.memory_space<vmem>>, vector<16xf32>,
          tpu.vector_store %arg21[%swap3A], %gather3A {strides = array<i32>} : memref<4096xf32, #tpu.memory_space<vmem>>, vector<16xf32>,
          %get3A_129 = arith.index_cast %add3A_126 : i32 to index
          %get3A_130 = tpu.vector_load %arg20[%get3A_129] {strides = array<i32>} : memref<4096xi32, #tpu.memory_space<vmem>>, vector<16xi32>,
          %gather3A_131 = tpu.vector_load_idx %arg19[%get3A_130] : memref<100000xf32, #tpu.memory_space<vmem>>[vector<16xi32>], vector<16xf32>,
          %swap3A_132 = arith.index_cast %add3A_126 : i32 to index
          %swap3A_133 = tpu.vector_load %arg21[%swap3A_132] {strides = array<i32>} : memref<4096xf32, #tpu.memory_space<vmem>>, vector<16xf32>,
          tpu.vector_store %arg21[%swap3A_132], %gather3A_131 {strides = array<i32>} : memref<4096xf32, #tpu.memory_space<vmem>>, vector<16xf32>,
          %scan3A_134 = arith.constant 0 : i32
          scf.yield %scan3A_134 : i32
        }
        %scan3A_113 = arith.constant 128 : i32
        "tpu.region"() ({
          %run_scoped3A_115 = tpu.sem_alloc : memref<!tpu.dma_semaphore, #tpu.memory_space<semaphore_mem>>
          %dma_start3A_116 = arith.constant 0 : i32
          %dma_start3A_117 = tpu.memref_slice %arg16[%sub3A_97, %dma_start3A_116] : memref<32x4096xf32, #tpu.memory_space<hbm>> -> memref<1x4096xf32, #tpu.memory_space<hbm>>
          %dma_start3A_118 = tpu.memref_squeeze %dma_start3A_117 : memref<1x4096xf32, #tpu.memory_space<hbm>> -> memref<4096xf32, #tpu.memory_space<hbm>>
          %dma_start3A_119 = arith.constant 0 : i32
          %dma_start3A_120 = tpu.memref_slice %arg16[%sub3A_97, %dma_start3A_119] : memref<32x4096xf32, #tpu.memory_space<hbm>> -> memref<1x4096xf32, #tpu.memory_space<hbm>>
          %dma_start3A_121 = tpu.memref_squeeze %dma_start3A_120 : memref<1x4096xf32, #tpu.memory_space<hbm>> -> memref<4096xf32, #tpu.memory_space<hbm>>
          tpu.enqueue_dma source(%arg21 : memref<4096xf32, #tpu.memory_space<vmem>>) target(%dma_start3A_121 : memref<4096xf32, #tpu.memory_space<hbm>>) target_semaphore(%run_scoped3A_115 : memref<!tpu.dma_semaphore, #tpu.memory_space<semaphore_mem>>)
          %dma_wait3A_122 = arith.constant 0 : i32
          %dma_wait3A_123 = tpu.memref_slice %arg16[%sub3A_97, %dma_wait3A_122] : memref<32x4096xf32, #tpu.memory_space<hbm>> -> memref<1x4096xf32, #tpu.memory_space<hbm>>
          %dma_wait3A_124 = tpu.memref_squeeze %dma_wait3A_123 : memref<1x4096xf32, #tpu.memory_space<hbm>> -> memref<4096xf32, #tpu.memory_space<hbm>>
          %dma_wait3A_125 = arith.constant 0 : i32
          %dma_wait3A_126 = tpu.memref_slice %arg16[%sub3A_97, %dma_wait3A_125] : memref<32x4096xf32, #tpu.memory_space<hbm>> -> memref<1x4096xf32, #tpu.memory_space<hbm>>
          %dma_wait3A_127 = tpu.memref_squeeze %dma_wait3A_126 : memref<1x4096xf32, #tpu.memory_space<hbm>> -> memref<4096xf32, #tpu.memory_space<hbm>>
          tpu.wait_dma2 semaphore(%run_scoped3A_115 : memref<!tpu.dma_semaphore, #tpu.memory_space<semaphore_mem>>) src(%arg21 : memref<4096xf32, #tpu.memory_space<vmem>>) dst(%dma_wait3A_127 : memref<4096xf32, #tpu.memory_space<hbm>>)
          tpu.yield
        }) : () -> ()
        %while3A_114 = arith.constant 0 : i32
        scf.yield %while3A_114 : i32
      }
    } else {
    }
    %lt3A_58 = arith.constant 192 : i32
    %lt3A_59 = arith.cmpi slt, %mul3A_2, %lt3A_58 : i32
    %add3A_60 = arith.constant 7 : i32
    %add3A_61 = arith.addi %mul3A_2, %add3A_60 : i32
    %gt3A_62 = arith.constant 160 : i32
    %gt3A_63 = arith.cmpi sgt, %add3A_61, %gt3A_62 : i32
    %and3A_64 = arith.andi %lt3A_59, %gt3A_63 : i1
    %convert_element_type3A_65 = arith.extui %and3A_64 : i1 to i32
    %cond3A_66 = arith.constant 0 : i32
    %cond3A_67 = arith.cmpi ne, %convert_element_type3A_65, %cond3A_66 : i32
    scf.if %cond3A_67 {
      %run_scoped3A = arith.constant 6 : i32
      "tpu.region"() ({
        %run_scoped3A_93 = tpu.sem_alloc : memref<!tpu.dma_semaphore, #tpu.memory_space<semaphore_mem>>
        %dma_start3A = arith.constant 0 : i32
        %dma_start3A_94 = tpu.memref_slice %arg2[%run_scoped3A, %dma_start3A] : memref<8x4096xi32, #tpu.memory_space<hbm>> -> memref<1x4096xi32, #tpu.memory_space<hbm>>
        %dma_start3A_95 = tpu.memref_squeeze %dma_start3A_94 : memref<1x4096xi32, #tpu.memory_space<hbm>> -> memref<4096xi32, #tpu.memory_space<hbm>>
        %dma_start3A_96 = arith.constant 0 : i32
        %dma_start3A_97 = tpu.memref_slice %arg2[%run_scoped3A, %dma_start3A_96] : memref<8x4096xi32, #tpu.memory_space<hbm>> -> memref<1x4096xi32, #tpu.memory_space<hbm>>
        %dma_start3A_98 = tpu.memref_squeeze %dma_start3A_97 : memref<1x4096xi32, #tpu.memory_space<hbm>> -> memref<4096xi32, #tpu.memory_space<hbm>>
        tpu.enqueue_dma source(%dma_start3A_98 : memref<4096xi32, #tpu.memory_space<hbm>>) target(%arg20 : memref<4096xi32, #tpu.memory_space<vmem>>) target_semaphore(%run_scoped3A_93 : memref<!tpu.dma_semaphore, #tpu.memory_space<semaphore_mem>>)
        %dma_wait3A = arith.constant 0 : i32
        %dma_wait3A_99 = tpu.memref_slice %arg2[%run_scoped3A, %dma_wait3A] : memref<8x4096xi32, #tpu.memory_space<hbm>> -> memref<1x4096xi32, #tpu.memory_space<hbm>>
        %dma_wait3A_100 = tpu.memref_squeeze %dma_wait3A_99 : memref<1x4096xi32, #tpu.memory_space<hbm>> -> memref<4096xi32, #tpu.memory_space<hbm>>
        %dma_wait3A_101 = arith.constant 0 : i32
        %dma_wait3A_102 = tpu.memref_slice %arg2[%run_scoped3A, %dma_wait3A_101] : memref<8x4096xi32, #tpu.memory_space<hbm>> -> memref<1x4096xi32, #tpu.memory_space<hbm>>
        %dma_wait3A_103 = tpu.memref_squeeze %dma_wait3A_102 : memref<1x4096xi32, #tpu.memory_space<hbm>> -> memref<4096xi32, #tpu.memory_space<hbm>>
        tpu.wait_dma2 semaphore(%run_scoped3A_93 : memref<!tpu.dma_semaphore, #tpu.memory_space<semaphore_mem>>) src(%dma_wait3A_103 : memref<4096xi32, #tpu.memory_space<hbm>>) dst(%arg20 : memref<4096xi32, #tpu.memory_space<vmem>>)
        tpu.yield
      }) : () -> ()
      %sub3A = arith.constant 160 : i32
      %sub3A_78 = arith.subi %sub3A, %mul3A_2 : i32
      %max3A = arith.constant 0 : i32
      %max3A_79 = arith.maxsi %sub3A_78, %max3A : i32
      %sub3A_80 = arith.constant 192 : i32
      %sub3A_81 = arith.subi %sub3A_80, %mul3A_2 : i32
      %min3A = arith.constant 7 : i32
      %min3A_82 = arith.minsi %sub3A_81, %min3A : i32
      %while3A = arith.constant 0 : i32
      %while3A_83 = arith.subi %min3A_82, %max3A_79 : i32
      %while3A_84 = arith.addi %max3A_79, %while3A_83 : i32
      %while3A_85 = arith.constant 1 : i32
      %while3A_86 = arith.divsi %while3A_83, %while3A_85 : i32
      %while3A_87 = arith.muli %while3A_86, %while3A_85 : i32
      %while3A_88 = arith.addi %max3A_79, %while3A_87 : i32
      %while3A_89 = arith.constant 1 : i32
      %while3A_90 = scf.for %while3A_93 = %max3A_79 to %while3A_88 step %while3A_89 iter_args(%while3A_94 = %while3A) -> (i32)  : i32 {
        %add3A_95 = arith.addi %mul3A_2, %while3A_93 : i32
        %sub3A_96 = arith.constant 160 : i32
        %sub3A_97 = arith.subi %add3A_95, %sub3A_96 : i32
        %dma_start3A = arith.constant 0 : i32
        %dma_start3A_98 = tpu.memref_slice %arg9[%sub3A_97, %dma_start3A] : memref<32x100000xf32, #tpu.memory_space<hbm>> -> memref<1x100000xf32, #tpu.memory_space<hbm>>
        %dma_start3A_99 = tpu.memref_squeeze %dma_start3A_98 : memref<1x100000xf32, #tpu.memory_space<hbm>> -> memref<100000xf32, #tpu.memory_space<hbm>>
        %dma_start3A_100 = arith.constant 0 : i32
        %dma_start3A_101 = tpu.memref_slice %arg9[%sub3A_97, %dma_start3A_100] : memref<32x100000xf32, #tpu.memory_space<hbm>> -> memref<1x100000xf32, #tpu.memory_space<hbm>>
        %dma_start3A_102 = tpu.memref_squeeze %dma_start3A_101 : memref<1x100000xf32, #tpu.memory_space<hbm>> -> memref<100000xf32, #tpu.memory_space<hbm>>
        tpu.enqueue_dma source(%dma_start3A_102 : memref<100000xf32, #tpu.memory_space<hbm>>) target(%arg19 : memref<100000xf32, #tpu.memory_space<vmem>>) target_semaphore(%arg22 : memref<!tpu.dma_semaphore, #tpu.memory_space<semaphore_mem>>)
        %dma_wait3A = arith.constant 0 : i32
        %dma_wait3A_103 = tpu.memref_slice %arg9[%sub3A_97, %dma_wait3A] : memref<32x100000xf32, #tpu.memory_space<hbm>> -> memref<1x100000xf32, #tpu.memory_space<hbm>>
        %dma_wait3A_104 = tpu.memref_squeeze %dma_wait3A_103 : memref<1x100000xf32, #tpu.memory_space<hbm>> -> memref<100000xf32, #tpu.memory_space<hbm>>
        %dma_wait3A_105 = arith.constant 0 : i32
        %dma_wait3A_106 = tpu.memref_slice %arg9[%sub3A_97, %dma_wait3A_105] : memref<32x100000xf32, #tpu.memory_space<hbm>> -> memref<1x100000xf32, #tpu.memory_space<hbm>>
        %dma_wait3A_107 = tpu.memref_squeeze %dma_wait3A_106 : memref<1x100000xf32, #tpu.memory_space<hbm>> -> memref<100000xf32, #tpu.memory_space<hbm>>
        tpu.wait_dma2 semaphore(%arg22 : memref<!tpu.dma_semaphore, #tpu.memory_space<semaphore_mem>>) src(%dma_wait3A_107 : memref<100000xf32, #tpu.memory_space<hbm>>) dst(%arg19 : memref<100000xf32, #tpu.memory_space<vmem>>)
        %scan3A = arith.constant 0 : i32
        %scan3A_108 = arith.constant 0 : i32
        %scan3A_109 = arith.constant 128 : i32
        %scan3A_110 = arith.addi %scan3A_108, %scan3A_109 : i32
        %scan3A_111 = arith.constant 1 : i32
        %scan3A_112 = scf.for %scan3A_115 = %scan3A_108 to %scan3A_110 step %scan3A_111 iter_args(%scan3A_116 = %scan3A) -> (i32)  : i32 {
          %mul3A_117 = arith.constant 2 : i32
          %mul3A_118 = arith.muli %scan3A_115, %mul3A_117 : i32
          %mul3A_119 = arith.constant 16 : i32
          %mul3A_120 = arith.muli %mul3A_118, %mul3A_119 : i32
          %mul3A_121 = arith.constant 2 : i32
          %mul3A_122 = arith.muli %scan3A_115, %mul3A_121 : i32
          %mul3A_123 = arith.constant 16 : i32
          %mul3A_124 = arith.muli %mul3A_122, %mul3A_123 : i32
          %add3A_125 = arith.constant 16 : i32
          %add3A_126 = arith.addi %mul3A_124, %add3A_125 : i32
          %get3A = arith.index_cast %mul3A_120 : i32 to index
          %get3A_127 = tpu.vector_load %arg20[%get3A] {strides = array<i32>} : memref<4096xi32, #tpu.memory_space<vmem>>, vector<16xi32>,
          %gather3A = tpu.vector_load_idx %arg19[%get3A_127] : memref<100000xf32, #tpu.memory_space<vmem>>[vector<16xi32>], vector<16xf32>,
          %swap3A = arith.index_cast %mul3A_120 : i32 to index
          %swap3A_128 = tpu.vector_load %arg21[%swap3A] {strides = array<i32>} : memref<4096xf32, #tpu.memory_space<vmem>>, vector<16xf32>,
          tpu.vector_store %arg21[%swap3A], %gather3A {strides = array<i32>} : memref<4096xf32, #tpu.memory_space<vmem>>, vector<16xf32>,
          %get3A_129 = arith.index_cast %add3A_126 : i32 to index
          %get3A_130 = tpu.vector_load %arg20[%get3A_129] {strides = array<i32>} : memref<4096xi32, #tpu.memory_space<vmem>>, vector<16xi32>,
          %gather3A_131 = tpu.vector_load_idx %arg19[%get3A_130] : memref<100000xf32, #tpu.memory_space<vmem>>[vector<16xi32>], vector<16xf32>,
          %swap3A_132 = arith.index_cast %add3A_126 : i32 to index
          %swap3A_133 = tpu.vector_load %arg21[%swap3A_132] {strides = array<i32>} : memref<4096xf32, #tpu.memory_space<vmem>>, vector<16xf32>,
          tpu.vector_store %arg21[%swap3A_132], %gather3A_131 {strides = array<i32>} : memref<4096xf32, #tpu.memory_space<vmem>>, vector<16xf32>,
          %scan3A_134 = arith.constant 0 : i32
          scf.yield %scan3A_134 : i32
        }
        %scan3A_113 = arith.constant 128 : i32
        "tpu.region"() ({
          %run_scoped3A_115 = tpu.sem_alloc : memref<!tpu.dma_semaphore, #tpu.memory_space<semaphore_mem>>
          %dma_start3A_116 = arith.constant 0 : i32
          %dma_start3A_117 = tpu.memref_slice %arg17[%sub3A_97, %dma_start3A_116] : memref<32x4096xf32, #tpu.memory_space<hbm>> -> memref<1x4096xf32, #tpu.memory_space<hbm>>
          %dma_start3A_118 = tpu.memref_squeeze %dma_start3A_117 : memref<1x4096xf32, #tpu.memory_space<hbm>> -> memref<4096xf32, #tpu.memory_space<hbm>>
          %dma_start3A_119 = arith.constant 0 : i32
          %dma_start3A_120 = tpu.memref_slice %arg17[%sub3A_97, %dma_start3A_119] : memref<32x4096xf32, #tpu.memory_space<hbm>> -> memref<1x4096xf32, #tpu.memory_space<hbm>>
          %dma_start3A_121 = tpu.memref_squeeze %dma_start3A_120 : memref<1x4096xf32, #tpu.memory_space<hbm>> -> memref<4096xf32, #tpu.memory_space<hbm>>
          tpu.enqueue_dma source(%arg21 : memref<4096xf32, #tpu.memory_space<vmem>>) target(%dma_start3A_121 : memref<4096xf32, #tpu.memory_space<hbm>>) target_semaphore(%run_scoped3A_115 : memref<!tpu.dma_semaphore, #tpu.memory_space<semaphore_mem>>)
          %dma_wait3A_122 = arith.constant 0 : i32
          %dma_wait3A_123 = tpu.memref_slice %arg17[%sub3A_97, %dma_wait3A_122] : memref<32x4096xf32, #tpu.memory_space<hbm>> -> memref<1x4096xf32, #tpu.memory_space<hbm>>
          %dma_wait3A_124 = tpu.memref_squeeze %dma_wait3A_123 : memref<1x4096xf32, #tpu.memory_space<hbm>> -> memref<4096xf32, #tpu.memory_space<hbm>>
          %dma_wait3A_125 = arith.constant 0 : i32
          %dma_wait3A_126 = tpu.memref_slice %arg17[%sub3A_97, %dma_wait3A_125] : memref<32x4096xf32, #tpu.memory_space<hbm>> -> memref<1x4096xf32, #tpu.memory_space<hbm>>
          %dma_wait3A_127 = tpu.memref_squeeze %dma_wait3A_126 : memref<1x4096xf32, #tpu.memory_space<hbm>> -> memref<4096xf32, #tpu.memory_space<hbm>>
          tpu.wait_dma2 semaphore(%run_scoped3A_115 : memref<!tpu.dma_semaphore, #tpu.memory_space<semaphore_mem>>) src(%arg21 : memref<4096xf32, #tpu.memory_space<vmem>>) dst(%dma_wait3A_127 : memref<4096xf32, #tpu.memory_space<hbm>>)
          tpu.yield
        }) : () -> ()
        %while3A_114 = arith.constant 0 : i32
        scf.yield %while3A_114 : i32
      }
      %while3A_91 = arith.constant 1 : i32
      %while3A_92 = scf.for %while3A_93 = %while3A_88 to %while3A_84 step %while3A_91 iter_args(%while3A_94 = %while3A_90) -> (i32)  : i32 {
        %add3A_95 = arith.addi %mul3A_2, %while3A_93 : i32
        %sub3A_96 = arith.constant 160 : i32
        %sub3A_97 = arith.subi %add3A_95, %sub3A_96 : i32
        %dma_start3A = arith.constant 0 : i32
        %dma_start3A_98 = tpu.memref_slice %arg9[%sub3A_97, %dma_start3A] : memref<32x100000xf32, #tpu.memory_space<hbm>> -> memref<1x100000xf32, #tpu.memory_space<hbm>>
        %dma_start3A_99 = tpu.memref_squeeze %dma_start3A_98 : memref<1x100000xf32, #tpu.memory_space<hbm>> -> memref<100000xf32, #tpu.memory_space<hbm>>
        %dma_start3A_100 = arith.constant 0 : i32
        %dma_start3A_101 = tpu.memref_slice %arg9[%sub3A_97, %dma_start3A_100] : memref<32x100000xf32, #tpu.memory_space<hbm>> -> memref<1x100000xf32, #tpu.memory_space<hbm>>
        %dma_start3A_102 = tpu.memref_squeeze %dma_start3A_101 : memref<1x100000xf32, #tpu.memory_space<hbm>> -> memref<100000xf32, #tpu.memory_space<hbm>>
        tpu.enqueue_dma source(%dma_start3A_102 : memref<100000xf32, #tpu.memory_space<hbm>>) target(%arg19 : memref<100000xf32, #tpu.memory_space<vmem>>) target_semaphore(%arg22 : memref<!tpu.dma_semaphore, #tpu.memory_space<semaphore_mem>>)
        %dma_wait3A = arith.constant 0 : i32
        %dma_wait3A_103 = tpu.memref_slice %arg9[%sub3A_97, %dma_wait3A] : memref<32x100000xf32, #tpu.memory_space<hbm>> -> memref<1x100000xf32, #tpu.memory_space<hbm>>
        %dma_wait3A_104 = tpu.memref_squeeze %dma_wait3A_103 : memref<1x100000xf32, #tpu.memory_space<hbm>> -> memref<100000xf32, #tpu.memory_space<hbm>>
        %dma_wait3A_105 = arith.constant 0 : i32
        %dma_wait3A_106 = tpu.memref_slice %arg9[%sub3A_97, %dma_wait3A_105] : memref<32x100000xf32, #tpu.memory_space<hbm>> -> memref<1x100000xf32, #tpu.memory_space<hbm>>
        %dma_wait3A_107 = tpu.memref_squeeze %dma_wait3A_106 : memref<1x100000xf32, #tpu.memory_space<hbm>> -> memref<100000xf32, #tpu.memory_space<hbm>>
        tpu.wait_dma2 semaphore(%arg22 : memref<!tpu.dma_semaphore, #tpu.memory_space<semaphore_mem>>) src(%dma_wait3A_107 : memref<100000xf32, #tpu.memory_space<hbm>>) dst(%arg19 : memref<100000xf32, #tpu.memory_space<vmem>>)
        %scan3A = arith.constant 0 : i32
        %scan3A_108 = arith.constant 0 : i32
        %scan3A_109 = arith.constant 128 : i32
        %scan3A_110 = arith.addi %scan3A_108, %scan3A_109 : i32
        %scan3A_111 = arith.constant 1 : i32
        %scan3A_112 = scf.for %scan3A_115 = %scan3A_108 to %scan3A_110 step %scan3A_111 iter_args(%scan3A_116 = %scan3A) -> (i32)  : i32 {
          %mul3A_117 = arith.constant 2 : i32
          %mul3A_118 = arith.muli %scan3A_115, %mul3A_117 : i32
          %mul3A_119 = arith.constant 16 : i32
          %mul3A_120 = arith.muli %mul3A_118, %mul3A_119 : i32
          %mul3A_121 = arith.constant 2 : i32
          %mul3A_122 = arith.muli %scan3A_115, %mul3A_121 : i32
          %mul3A_123 = arith.constant 16 : i32
          %mul3A_124 = arith.muli %mul3A_122, %mul3A_123 : i32
          %add3A_125 = arith.constant 16 : i32
          %add3A_126 = arith.addi %mul3A_124, %add3A_125 : i32
          %get3A = arith.index_cast %mul3A_120 : i32 to index
          %get3A_127 = tpu.vector_load %arg20[%get3A] {strides = array<i32>} : memref<4096xi32, #tpu.memory_space<vmem>>, vector<16xi32>,
          %gather3A = tpu.vector_load_idx %arg19[%get3A_127] : memref<100000xf32, #tpu.memory_space<vmem>>[vector<16xi32>], vector<16xf32>,
          %swap3A = arith.index_cast %mul3A_120 : i32 to index
          %swap3A_128 = tpu.vector_load %arg21[%swap3A] {strides = array<i32>} : memref<4096xf32, #tpu.memory_space<vmem>>, vector<16xf32>,
          tpu.vector_store %arg21[%swap3A], %gather3A {strides = array<i32>} : memref<4096xf32, #tpu.memory_space<vmem>>, vector<16xf32>,
          %get3A_129 = arith.index_cast %add3A_126 : i32 to index
          %get3A_130 = tpu.vector_load %arg20[%get3A_129] {strides = array<i32>} : memref<4096xi32, #tpu.memory_space<vmem>>, vector<16xi32>,
          %gather3A_131 = tpu.vector_load_idx %arg19[%get3A_130] : memref<100000xf32, #tpu.memory_space<vmem>>[vector<16xi32>], vector<16xf32>,
          %swap3A_132 = arith.index_cast %add3A_126 : i32 to index
          %swap3A_133 = tpu.vector_load %arg21[%swap3A_132] {strides = array<i32>} : memref<4096xf32, #tpu.memory_space<vmem>>, vector<16xf32>,
          tpu.vector_store %arg21[%swap3A_132], %gather3A_131 {strides = array<i32>} : memref<4096xf32, #tpu.memory_space<vmem>>, vector<16xf32>,
          %scan3A_134 = arith.constant 0 : i32
          scf.yield %scan3A_134 : i32
        }
        %scan3A_113 = arith.constant 128 : i32
        "tpu.region"() ({
          %run_scoped3A_115 = tpu.sem_alloc : memref<!tpu.dma_semaphore, #tpu.memory_space<semaphore_mem>>
          %dma_start3A_116 = arith.constant 0 : i32
          %dma_start3A_117 = tpu.memref_slice %arg17[%sub3A_97, %dma_start3A_116] : memref<32x4096xf32, #tpu.memory_space<hbm>> -> memref<1x4096xf32, #tpu.memory_space<hbm>>
          %dma_start3A_118 = tpu.memref_squeeze %dma_start3A_117 : memref<1x4096xf32, #tpu.memory_space<hbm>> -> memref<4096xf32, #tpu.memory_space<hbm>>
          %dma_start3A_119 = arith.constant 0 : i32
          %dma_start3A_120 = tpu.memref_slice %arg17[%sub3A_97, %dma_start3A_119] : memref<32x4096xf32, #tpu.memory_space<hbm>> -> memref<1x4096xf32, #tpu.memory_space<hbm>>
          %dma_start3A_121 = tpu.memref_squeeze %dma_start3A_120 : memref<1x4096xf32, #tpu.memory_space<hbm>> -> memref<4096xf32, #tpu.memory_space<hbm>>
          tpu.enqueue_dma source(%arg21 : memref<4096xf32, #tpu.memory_space<vmem>>) target(%dma_start3A_121 : memref<4096xf32, #tpu.memory_space<hbm>>) target_semaphore(%run_scoped3A_115 : memref<!tpu.dma_semaphore, #tpu.memory_space<semaphore_mem>>)
          %dma_wait3A_122 = arith.constant 0 : i32
          %dma_wait3A_123 = tpu.memref_slice %arg17[%sub3A_97, %dma_wait3A_122] : memref<32x4096xf32, #tpu.memory_space<hbm>> -> memref<1x4096xf32, #tpu.memory_space<hbm>>
          %dma_wait3A_124 = tpu.memref_squeeze %dma_wait3A_123 : memref<1x4096xf32, #tpu.memory_space<hbm>> -> memref<4096xf32, #tpu.memory_space<hbm>>
          %dma_wait3A_125 = arith.constant 0 : i32
          %dma_wait3A_126 = tpu.memref_slice %arg17[%sub3A_97, %dma_wait3A_125] : memref<32x4096xf32, #tpu.memory_space<hbm>> -> memref<1x4096xf32, #tpu.memory_space<hbm>>
          %dma_wait3A_127 = tpu.memref_squeeze %dma_wait3A_126 : memref<1x4096xf32, #tpu.memory_space<hbm>> -> memref<4096xf32, #tpu.memory_space<hbm>>
          tpu.wait_dma2 semaphore(%run_scoped3A_115 : memref<!tpu.dma_semaphore, #tpu.memory_space<semaphore_mem>>) src(%arg21 : memref<4096xf32, #tpu.memory_space<vmem>>) dst(%dma_wait3A_127 : memref<4096xf32, #tpu.memory_space<hbm>>)
          tpu.yield
        }) : () -> ()
        %while3A_114 = arith.constant 0 : i32
        scf.yield %while3A_114 : i32
      }
    } else {
    }
    %lt3A_68 = arith.constant 224 : i32
    %lt3A_69 = arith.cmpi slt, %mul3A_2, %lt3A_68 : i32
    %add3A_70 = arith.constant 7 : i32
    %add3A_71 = arith.addi %mul3A_2, %add3A_70 : i32
    %gt3A_72 = arith.constant 192 : i32
    %gt3A_73 = arith.cmpi sgt, %add3A_71, %gt3A_72 : i32
    %and3A_74 = arith.andi %lt3A_69, %gt3A_73 : i1
    %convert_element_type3A_75 = arith.extui %and3A_74 : i1 to i32
    %cond3A_76 = arith.constant 0 : i32
    %cond3A_77 = arith.cmpi ne, %convert_element_type3A_75, %cond3A_76 : i32
    scf.if %cond3A_77 {
      %run_scoped3A = arith.constant 7 : i32
      "tpu.region"() ({
        %run_scoped3A_93 = tpu.sem_alloc : memref<!tpu.dma_semaphore, #tpu.memory_space<semaphore_mem>>
        %dma_start3A = arith.constant 0 : i32
        %dma_start3A_94 = tpu.memref_slice %arg2[%run_scoped3A, %dma_start3A] : memref<8x4096xi32, #tpu.memory_space<hbm>> -> memref<1x4096xi32, #tpu.memory_space<hbm>>
        %dma_start3A_95 = tpu.memref_squeeze %dma_start3A_94 : memref<1x4096xi32, #tpu.memory_space<hbm>> -> memref<4096xi32, #tpu.memory_space<hbm>>
        %dma_start3A_96 = arith.constant 0 : i32
        %dma_start3A_97 = tpu.memref_slice %arg2[%run_scoped3A, %dma_start3A_96] : memref<8x4096xi32, #tpu.memory_space<hbm>> -> memref<1x4096xi32, #tpu.memory_space<hbm>>
        %dma_start3A_98 = tpu.memref_squeeze %dma_start3A_97 : memref<1x4096xi32, #tpu.memory_space<hbm>> -> memref<4096xi32, #tpu.memory_space<hbm>>
        tpu.enqueue_dma source(%dma_start3A_98 : memref<4096xi32, #tpu.memory_space<hbm>>) target(%arg20 : memref<4096xi32, #tpu.memory_space<vmem>>) target_semaphore(%run_scoped3A_93 : memref<!tpu.dma_semaphore, #tpu.memory_space<semaphore_mem>>)
        %dma_wait3A = arith.constant 0 : i32
        %dma_wait3A_99 = tpu.memref_slice %arg2[%run_scoped3A, %dma_wait3A] : memref<8x4096xi32, #tpu.memory_space<hbm>> -> memref<1x4096xi32, #tpu.memory_space<hbm>>
        %dma_wait3A_100 = tpu.memref_squeeze %dma_wait3A_99 : memref<1x4096xi32, #tpu.memory_space<hbm>> -> memref<4096xi32, #tpu.memory_space<hbm>>
        %dma_wait3A_101 = arith.constant 0 : i32
        %dma_wait3A_102 = tpu.memref_slice %arg2[%run_scoped3A, %dma_wait3A_101] : memref<8x4096xi32, #tpu.memory_space<hbm>> -> memref<1x4096xi32, #tpu.memory_space<hbm>>
        %dma_wait3A_103 = tpu.memref_squeeze %dma_wait3A_102 : memref<1x4096xi32, #tpu.memory_space<hbm>> -> memref<4096xi32, #tpu.memory_space<hbm>>
        tpu.wait_dma2 semaphore(%run_scoped3A_93 : memref<!tpu.dma_semaphore, #tpu.memory_space<semaphore_mem>>) src(%dma_wait3A_103 : memref<4096xi32, #tpu.memory_space<hbm>>) dst(%arg20 : memref<4096xi32, #tpu.memory_space<vmem>>)
        tpu.yield
      }) : () -> ()
      %sub3A = arith.constant 192 : i32
      %sub3A_78 = arith.subi %sub3A, %mul3A_2 : i32
      %max3A = arith.constant 0 : i32
      %max3A_79 = arith.maxsi %sub3A_78, %max3A : i32
      %sub3A_80 = arith.constant 224 : i32
      %sub3A_81 = arith.subi %sub3A_80, %mul3A_2 : i32
      %min3A = arith.constant 7 : i32
      %min3A_82 = arith.minsi %sub3A_81, %min3A : i32
      %while3A = arith.constant 0 : i32
      %while3A_83 = arith.subi %min3A_82, %max3A_79 : i32
      %while3A_84 = arith.addi %max3A_79, %while3A_83 : i32
      %while3A_85 = arith.constant 1 : i32
      %while3A_86 = arith.divsi %while3A_83, %while3A_85 : i32
      %while3A_87 = arith.muli %while3A_86, %while3A_85 : i32
      %while3A_88 = arith.addi %max3A_79, %while3A_87 : i32
      %while3A_89 = arith.constant 1 : i32
      %while3A_90 = scf.for %while3A_93 = %max3A_79 to %while3A_88 step %while3A_89 iter_args(%while3A_94 = %while3A) -> (i32)  : i32 {
        %add3A_95 = arith.addi %mul3A_2, %while3A_93 : i32
        %sub3A_96 = arith.constant 192 : i32
        %sub3A_97 = arith.subi %add3A_95, %sub3A_96 : i32
        %dma_start3A = arith.constant 0 : i32
        %dma_start3A_98 = tpu.memref_slice %arg10[%sub3A_97, %dma_start3A] : memref<32x100000xf32, #tpu.memory_space<hbm>> -> memref<1x100000xf32, #tpu.memory_space<hbm>>
        %dma_start3A_99 = tpu.memref_squeeze %dma_start3A_98 : memref<1x100000xf32, #tpu.memory_space<hbm>> -> memref<100000xf32, #tpu.memory_space<hbm>>
        %dma_start3A_100 = arith.constant 0 : i32
        %dma_start3A_101 = tpu.memref_slice %arg10[%sub3A_97, %dma_start3A_100] : memref<32x100000xf32, #tpu.memory_space<hbm>> -> memref<1x100000xf32, #tpu.memory_space<hbm>>
        %dma_start3A_102 = tpu.memref_squeeze %dma_start3A_101 : memref<1x100000xf32, #tpu.memory_space<hbm>> -> memref<100000xf32, #tpu.memory_space<hbm>>
        tpu.enqueue_dma source(%dma_start3A_102 : memref<100000xf32, #tpu.memory_space<hbm>>) target(%arg19 : memref<100000xf32, #tpu.memory_space<vmem>>) target_semaphore(%arg22 : memref<!tpu.dma_semaphore, #tpu.memory_space<semaphore_mem>>)
        %dma_wait3A = arith.constant 0 : i32
        %dma_wait3A_103 = tpu.memref_slice %arg10[%sub3A_97, %dma_wait3A] : memref<32x100000xf32, #tpu.memory_space<hbm>> -> memref<1x100000xf32, #tpu.memory_space<hbm>>
        %dma_wait3A_104 = tpu.memref_squeeze %dma_wait3A_103 : memref<1x100000xf32, #tpu.memory_space<hbm>> -> memref<100000xf32, #tpu.memory_space<hbm>>
        %dma_wait3A_105 = arith.constant 0 : i32
        %dma_wait3A_106 = tpu.memref_slice %arg10[%sub3A_97, %dma_wait3A_105] : memref<32x100000xf32, #tpu.memory_space<hbm>> -> memref<1x100000xf32, #tpu.memory_space<hbm>>
        %dma_wait3A_107 = tpu.memref_squeeze %dma_wait3A_106 : memref<1x100000xf32, #tpu.memory_space<hbm>> -> memref<100000xf32, #tpu.memory_space<hbm>>
        tpu.wait_dma2 semaphore(%arg22 : memref<!tpu.dma_semaphore, #tpu.memory_space<semaphore_mem>>) src(%dma_wait3A_107 : memref<100000xf32, #tpu.memory_space<hbm>>) dst(%arg19 : memref<100000xf32, #tpu.memory_space<vmem>>)
        %scan3A = arith.constant 0 : i32
        %scan3A_108 = arith.constant 0 : i32
        %scan3A_109 = arith.constant 128 : i32
        %scan3A_110 = arith.addi %scan3A_108, %scan3A_109 : i32
        %scan3A_111 = arith.constant 1 : i32
        %scan3A_112 = scf.for %scan3A_115 = %scan3A_108 to %scan3A_110 step %scan3A_111 iter_args(%scan3A_116 = %scan3A) -> (i32)  : i32 {
          %mul3A_117 = arith.constant 2 : i32
          %mul3A_118 = arith.muli %scan3A_115, %mul3A_117 : i32
          %mul3A_119 = arith.constant 16 : i32
          %mul3A_120 = arith.muli %mul3A_118, %mul3A_119 : i32
          %mul3A_121 = arith.constant 2 : i32
          %mul3A_122 = arith.muli %scan3A_115, %mul3A_121 : i32
          %mul3A_123 = arith.constant 16 : i32
          %mul3A_124 = arith.muli %mul3A_122, %mul3A_123 : i32
          %add3A_125 = arith.constant 16 : i32
          %add3A_126 = arith.addi %mul3A_124, %add3A_125 : i32
          %get3A = arith.index_cast %mul3A_120 : i32 to index
          %get3A_127 = tpu.vector_load %arg20[%get3A] {strides = array<i32>} : memref<4096xi32, #tpu.memory_space<vmem>>, vector<16xi32>,
          %gather3A = tpu.vector_load_idx %arg19[%get3A_127] : memref<100000xf32, #tpu.memory_space<vmem>>[vector<16xi32>], vector<16xf32>,
          %swap3A = arith.index_cast %mul3A_120 : i32 to index
          %swap3A_128 = tpu.vector_load %arg21[%swap3A] {strides = array<i32>} : memref<4096xf32, #tpu.memory_space<vmem>>, vector<16xf32>,
          tpu.vector_store %arg21[%swap3A], %gather3A {strides = array<i32>} : memref<4096xf32, #tpu.memory_space<vmem>>, vector<16xf32>,
          %get3A_129 = arith.index_cast %add3A_126 : i32 to index
          %get3A_130 = tpu.vector_load %arg20[%get3A_129] {strides = array<i32>} : memref<4096xi32, #tpu.memory_space<vmem>>, vector<16xi32>,
          %gather3A_131 = tpu.vector_load_idx %arg19[%get3A_130] : memref<100000xf32, #tpu.memory_space<vmem>>[vector<16xi32>], vector<16xf32>,
          %swap3A_132 = arith.index_cast %add3A_126 : i32 to index
          %swap3A_133 = tpu.vector_load %arg21[%swap3A_132] {strides = array<i32>} : memref<4096xf32, #tpu.memory_space<vmem>>, vector<16xf32>,
          tpu.vector_store %arg21[%swap3A_132], %gather3A_131 {strides = array<i32>} : memref<4096xf32, #tpu.memory_space<vmem>>, vector<16xf32>,
          %scan3A_134 = arith.constant 0 : i32
          scf.yield %scan3A_134 : i32
        }
        %scan3A_113 = arith.constant 128 : i32
        "tpu.region"() ({
          %run_scoped3A_115 = tpu.sem_alloc : memref<!tpu.dma_semaphore, #tpu.memory_space<semaphore_mem>>
          %dma_start3A_116 = arith.constant 0 : i32
          %dma_start3A_117 = tpu.memref_slice %arg18[%sub3A_97, %dma_start3A_116] : memref<32x4096xf32, #tpu.memory_space<hbm>> -> memref<1x4096xf32, #tpu.memory_space<hbm>>
          %dma_start3A_118 = tpu.memref_squeeze %dma_start3A_117 : memref<1x4096xf32, #tpu.memory_space<hbm>> -> memref<4096xf32, #tpu.memory_space<hbm>>
          %dma_start3A_119 = arith.constant 0 : i32
          %dma_start3A_120 = tpu.memref_slice %arg18[%sub3A_97, %dma_start3A_119] : memref<32x4096xf32, #tpu.memory_space<hbm>> -> memref<1x4096xf32, #tpu.memory_space<hbm>>
          %dma_start3A_121 = tpu.memref_squeeze %dma_start3A_120 : memref<1x4096xf32, #tpu.memory_space<hbm>> -> memref<4096xf32, #tpu.memory_space<hbm>>
          tpu.enqueue_dma source(%arg21 : memref<4096xf32, #tpu.memory_space<vmem>>) target(%dma_start3A_121 : memref<4096xf32, #tpu.memory_space<hbm>>) target_semaphore(%run_scoped3A_115 : memref<!tpu.dma_semaphore, #tpu.memory_space<semaphore_mem>>)
          %dma_wait3A_122 = arith.constant 0 : i32
          %dma_wait3A_123 = tpu.memref_slice %arg18[%sub3A_97, %dma_wait3A_122] : memref<32x4096xf32, #tpu.memory_space<hbm>> -> memref<1x4096xf32, #tpu.memory_space<hbm>>
          %dma_wait3A_124 = tpu.memref_squeeze %dma_wait3A_123 : memref<1x4096xf32, #tpu.memory_space<hbm>> -> memref<4096xf32, #tpu.memory_space<hbm>>
          %dma_wait3A_125 = arith.constant 0 : i32
          %dma_wait3A_126 = tpu.memref_slice %arg18[%sub3A_97, %dma_wait3A_125] : memref<32x4096xf32, #tpu.memory_space<hbm>> -> memref<1x4096xf32, #tpu.memory_space<hbm>>
          %dma_wait3A_127 = tpu.memref_squeeze %dma_wait3A_126 : memref<1x4096xf32, #tpu.memory_space<hbm>> -> memref<4096xf32, #tpu.memory_space<hbm>>
          tpu.wait_dma2 semaphore(%run_scoped3A_115 : memref<!tpu.dma_semaphore, #tpu.memory_space<semaphore_mem>>) src(%arg21 : memref<4096xf32, #tpu.memory_space<vmem>>) dst(%dma_wait3A_127 : memref<4096xf32, #tpu.memory_space<hbm>>)
          tpu.yield
        }) : () -> ()
        %while3A_114 = arith.constant 0 : i32
        scf.yield %while3A_114 : i32
      }
      %while3A_91 = arith.constant 1 : i32
      %while3A_92 = scf.for %while3A_93 = %while3A_88 to %while3A_84 step %while3A_91 iter_args(%while3A_94 = %while3A_90) -> (i32)  : i32 {
        %add3A_95 = arith.addi %mul3A_2, %while3A_93 : i32
        %sub3A_96 = arith.constant 192 : i32
        %sub3A_97 = arith.subi %add3A_95, %sub3A_96 : i32
        %dma_start3A = arith.constant 0 : i32
        %dma_start3A_98 = tpu.memref_slice %arg10[%sub3A_97, %dma_start3A] : memref<32x100000xf32, #tpu.memory_space<hbm>> -> memref<1x100000xf32, #tpu.memory_space<hbm>>
        %dma_start3A_99 = tpu.memref_squeeze %dma_start3A_98 : memref<1x100000xf32, #tpu.memory_space<hbm>> -> memref<100000xf32, #tpu.memory_space<hbm>>
        %dma_start3A_100 = arith.constant 0 : i32
        %dma_start3A_101 = tpu.memref_slice %arg10[%sub3A_97, %dma_start3A_100] : memref<32x100000xf32, #tpu.memory_space<hbm>> -> memref<1x100000xf32, #tpu.memory_space<hbm>>
        %dma_start3A_102 = tpu.memref_squeeze %dma_start3A_101 : memref<1x100000xf32, #tpu.memory_space<hbm>> -> memref<100000xf32, #tpu.memory_space<hbm>>
        tpu.enqueue_dma source(%dma_start3A_102 : memref<100000xf32, #tpu.memory_space<hbm>>) target(%arg19 : memref<100000xf32, #tpu.memory_space<vmem>>) target_semaphore(%arg22 : memref<!tpu.dma_semaphore, #tpu.memory_space<semaphore_mem>>)
        %dma_wait3A = arith.constant 0 : i32
        %dma_wait3A_103 = tpu.memref_slice %arg10[%sub3A_97, %dma_wait3A] : memref<32x100000xf32, #tpu.memory_space<hbm>> -> memref<1x100000xf32, #tpu.memory_space<hbm>>
        %dma_wait3A_104 = tpu.memref_squeeze %dma_wait3A_103 : memref<1x100000xf32, #tpu.memory_space<hbm>> -> memref<100000xf32, #tpu.memory_space<hbm>>
        %dma_wait3A_105 = arith.constant 0 : i32
        %dma_wait3A_106 = tpu.memref_slice %arg10[%sub3A_97, %dma_wait3A_105] : memref<32x100000xf32, #tpu.memory_space<hbm>> -> memref<1x100000xf32, #tpu.memory_space<hbm>>
        %dma_wait3A_107 = tpu.memref_squeeze %dma_wait3A_106 : memref<1x100000xf32, #tpu.memory_space<hbm>> -> memref<100000xf32, #tpu.memory_space<hbm>>
        tpu.wait_dma2 semaphore(%arg22 : memref<!tpu.dma_semaphore, #tpu.memory_space<semaphore_mem>>) src(%dma_wait3A_107 : memref<100000xf32, #tpu.memory_space<hbm>>) dst(%arg19 : memref<100000xf32, #tpu.memory_space<vmem>>)
        %scan3A = arith.constant 0 : i32
        %scan3A_108 = arith.constant 0 : i32
        %scan3A_109 = arith.constant 128 : i32
        %scan3A_110 = arith.addi %scan3A_108, %scan3A_109 : i32
        %scan3A_111 = arith.constant 1 : i32
        %scan3A_112 = scf.for %scan3A_115 = %scan3A_108 to %scan3A_110 step %scan3A_111 iter_args(%scan3A_116 = %scan3A) -> (i32)  : i32 {
          %mul3A_117 = arith.constant 2 : i32
          %mul3A_118 = arith.muli %scan3A_115, %mul3A_117 : i32
          %mul3A_119 = arith.constant 16 : i32
          %mul3A_120 = arith.muli %mul3A_118, %mul3A_119 : i32
          %mul3A_121 = arith.constant 2 : i32
          %mul3A_122 = arith.muli %scan3A_115, %mul3A_121 : i32
          %mul3A_123 = arith.constant 16 : i32
          %mul3A_124 = arith.muli %mul3A_122, %mul3A_123 : i32
          %add3A_125 = arith.constant 16 : i32
          %add3A_126 = arith.addi %mul3A_124, %add3A_125 : i32
          %get3A = arith.index_cast %mul3A_120 : i32 to index
          %get3A_127 = tpu.vector_load %arg20[%get3A] {strides = array<i32>} : memref<4096xi32, #tpu.memory_space<vmem>>, vector<16xi32>,
          %gather3A = tpu.vector_load_idx %arg19[%get3A_127] : memref<100000xf32, #tpu.memory_space<vmem>>[vector<16xi32>], vector<16xf32>,
          %swap3A = arith.index_cast %mul3A_120 : i32 to index
          %swap3A_128 = tpu.vector_load %arg21[%swap3A] {strides = array<i32>} : memref<4096xf32, #tpu.memory_space<vmem>>, vector<16xf32>,
          tpu.vector_store %arg21[%swap3A], %gather3A {strides = array<i32>} : memref<4096xf32, #tpu.memory_space<vmem>>, vector<16xf32>,
          %get3A_129 = arith.index_cast %add3A_126 : i32 to index
          %get3A_130 = tpu.vector_load %arg20[%get3A_129] {strides = array<i32>} : memref<4096xi32, #tpu.memory_space<vmem>>, vector<16xi32>,
          %gather3A_131 = tpu.vector_load_idx %arg19[%get3A_130] : memref<100000xf32, #tpu.memory_space<vmem>>[vector<16xi32>], vector<16xf32>,
          %swap3A_132 = arith.index_cast %add3A_126 : i32 to index
          %swap3A_133 = tpu.vector_load %arg21[%swap3A_132] {strides = array<i32>} : memref<4096xf32, #tpu.memory_space<vmem>>, vector<16xf32>,
          tpu.vector_store %arg21[%swap3A_132], %gather3A_131 {strides = array<i32>} : memref<4096xf32, #tpu.memory_space<vmem>>, vector<16xf32>,
          %scan3A_134 = arith.constant 0 : i32
          scf.yield %scan3A_134 : i32
        }
        %scan3A_113 = arith.constant 128 : i32
        "tpu.region"() ({
          %run_scoped3A_115 = tpu.sem_alloc : memref<!tpu.dma_semaphore, #tpu.memory_space<semaphore_mem>>
          %dma_start3A_116 = arith.constant 0 : i32
          %dma_start3A_117 = tpu.memref_slice %arg18[%sub3A_97, %dma_start3A_116] : memref<32x4096xf32, #tpu.memory_space<hbm>> -> memref<1x4096xf32, #tpu.memory_space<hbm>>
          %dma_start3A_118 = tpu.memref_squeeze %dma_start3A_117 : memref<1x4096xf32, #tpu.memory_space<hbm>> -> memref<4096xf32, #tpu.memory_space<hbm>>
          %dma_start3A_119 = arith.constant 0 : i32
          %dma_start3A_120 = tpu.memref_slice %arg18[%sub3A_97, %dma_start3A_119] : memref<32x4096xf32, #tpu.memory_space<hbm>> -> memref<1x4096xf32, #tpu.memory_space<hbm>>
          %dma_start3A_121 = tpu.memref_squeeze %dma_start3A_120 : memref<1x4096xf32, #tpu.memory_space<hbm>> -> memref<4096xf32, #tpu.memory_space<hbm>>
          tpu.enqueue_dma source(%arg21 : memref<4096xf32, #tpu.memory_space<vmem>>) target(%dma_start3A_121 : memref<4096xf32, #tpu.memory_space<hbm>>) target_semaphore(%run_scoped3A_115 : memref<!tpu.dma_semaphore, #tpu.memory_space<semaphore_mem>>)
          %dma_wait3A_122 = arith.constant 0 : i32
          %dma_wait3A_123 = tpu.memref_slice %arg18[%sub3A_97, %dma_wait3A_122] : memref<32x4096xf32, #tpu.memory_space<hbm>> -> memref<1x4096xf32, #tpu.memory_space<hbm>>
          %dma_wait3A_124 = tpu.memref_squeeze %dma_wait3A_123 : memref<1x4096xf32, #tpu.memory_space<hbm>> -> memref<4096xf32, #tpu.memory_space<hbm>>
          %dma_wait3A_125 = arith.constant 0 : i32
          %dma_wait3A_126 = tpu.memref_slice %arg18[%sub3A_97, %dma_wait3A_125] : memref<32x4096xf32, #tpu.memory_space<hbm>> -> memref<1x4096xf32, #tpu.memory_space<hbm>>
          %dma_wait3A_127 = tpu.memref_squeeze %dma_wait3A_126 : memref<1x4096xf32, #tpu.memory_space<hbm>> -> memref<4096xf32, #tpu.memory_space<hbm>>
          tpu.wait_dma2 semaphore(%run_scoped3A_115 : memref<!tpu.dma_semaphore, #tpu.memory_space<semaphore_mem>>) src(%arg21 : memref<4096xf32, #tpu.memory_space<vmem>>) dst(%dma_wait3A_127 : memref<4096xf32, #tpu.memory_space<hbm>>)
          tpu.yield
        }) : () -> ()
        %while3A_114 = arith.constant 0 : i32
        scf.yield %while3A_114 : i32
      }
    } else {
    }
    return
  }
}

module attributes {stable_mosaic.version = 14 : i64} {
  func.func @_mlp_body(%arg0: i32, %arg1: memref<34x4096xf32, #tpu.memory_space<vmem>>, %arg2: memref<16x4096xf32, #tpu.memory_space<vmem>>, %arg3: memref<16x4096xf32, #tpu.memory_space<vmem>>, %arg4: memref<32x4096xf32, #tpu.memory_space<vmem>>, %arg5: memref<32x4096xf32, #tpu.memory_space<vmem>>, %arg6: memref<32x4096xf32, #tpu.memory_space<vmem>>, %arg7: memref<32x4096xf32, #tpu.memory_space<vmem>>, %arg8: memref<32x4096xf32, #tpu.memory_space<vmem>>, %arg9: memref<32x4096xf32, #tpu.memory_space<vmem>>, %arg10: memref<256x212xf32, #tpu.memory_space<vmem>>, %arg11: memref<256x1xf32, #tpu.memory_space<vmem>>, %arg12: memref<128x256xf32, #tpu.memory_space<vmem>>, %arg13: memref<128x1xf32, #tpu.memory_space<vmem>>, %arg14: memref<64x166xf32, #tpu.memory_space<vmem>>, %arg15: memref<64x1xf32, #tpu.memory_space<vmem>>, %arg16: memref<64x4096xf32, #tpu.memory_space<vmem>>) attributes {dimension_semantics = [#tpu.dimension_semantics<arbitrary>], iteration_bounds = array<i64: 1>, scalar_prefetch = 0 : i64, scratch_operands = 0 : i64, tpu.core_type = #tpu.core_type<tc>, window_params = [{transform_indices = @transform_0, window_bounds = array<i64: 34, 4096>}, {transform_indices = @transform_1, window_bounds = array<i64: 16, 4096>}, {transform_indices = @transform_2, window_bounds = array<i64: 16, 4096>}, {transform_indices = @transform_3, window_bounds = array<i64: 32, 4096>}, {transform_indices = @transform_4, window_bounds = array<i64: 32, 4096>}, {transform_indices = @transform_5, window_bounds = array<i64: 32, 4096>}, {transform_indices = @transform_6, window_bounds = array<i64: 32, 4096>}, {transform_indices = @transform_7, window_bounds = array<i64: 32, 4096>}, {transform_indices = @transform_8, window_bounds = array<i64: 32, 4096>}, {pipeline_mode = #tpu.pipeline_mode<synchronous>, transform_indices = @transform_9, window_bounds = array<i64: 256, 212>}, {pipeline_mode = #tpu.pipeline_mode<synchronous>, transform_indices = @transform_10, window_bounds = array<i64: 256, 1>}, {pipeline_mode = #tpu.pipeline_mode<synchronous>, transform_indices = @transform_11, window_bounds = array<i64: 128, 256>}, {pipeline_mode = #tpu.pipeline_mode<synchronous>, transform_indices = @transform_12, window_bounds = array<i64: 128, 1>}, {pipeline_mode = #tpu.pipeline_mode<synchronous>, transform_indices = @transform_13, window_bounds = array<i64: 64, 166>}, {pipeline_mode = #tpu.pipeline_mode<synchronous>, transform_indices = @transform_14, window_bounds = array<i64: 64, 1>}, {transform_indices = @transform_15, window_bounds = array<i64: 64, 4096>}]} {
    %get3A = arith.constant 0 : index
    %get3A_0 = arith.constant 0 : index
    %get3A_1 = vector.load %arg4[%get3A, %get3A_0] : memref<32x4096xf32, #tpu.memory_space<vmem>>, vector<32x4096xf32>
    %get3A_2 = arith.constant 0 : index
    %get3A_3 = arith.constant 0 : index
    %get3A_4 = vector.load %arg5[%get3A_2, %get3A_3] : memref<32x4096xf32, #tpu.memory_space<vmem>>, vector<32x4096xf32>
    %get3A_5 = arith.constant 0 : index
    %get3A_6 = arith.constant 0 : index
    %get3A_7 = vector.load %arg6[%get3A_5, %get3A_6] : memref<32x4096xf32, #tpu.memory_space<vmem>>, vector<32x4096xf32>
    %get3A_8 = arith.constant 0 : index
    %get3A_9 = arith.constant 0 : index
    %get3A_10 = vector.load %arg7[%get3A_8, %get3A_9] : memref<32x4096xf32, #tpu.memory_space<vmem>>, vector<32x4096xf32>
    %get3A_11 = arith.constant 0 : index
    %get3A_12 = arith.constant 0 : index
    %get3A_13 = vector.load %arg8[%get3A_11, %get3A_12] : memref<32x4096xf32, #tpu.memory_space<vmem>>, vector<32x4096xf32>
    %get3A_14 = arith.constant 0 : index
    %get3A_15 = arith.constant 0 : index
    %get3A_16 = vector.load %arg9[%get3A_14, %get3A_15] : memref<32x4096xf32, #tpu.memory_space<vmem>>, vector<32x4096xf32>
    %get3A_17 = arith.constant 14 : index
    %get3A_18 = arith.constant 0 : index
    %get3A_19 = vector.load %arg1[%get3A_17, %get3A_18] : memref<34x4096xf32, #tpu.memory_space<vmem>>, vector<20x4096xf32>
    %concatenate3A = tpu.concatenate %get3A_1, %get3A_4, %get3A_7, %get3A_10, %get3A_13, %get3A_16, %get3A_19 in 0 : vector<32x4096xf32>, vector<32x4096xf32>, vector<32x4096xf32>, vector<32x4096xf32>, vector<32x4096xf32>, vector<32x4096xf32>, vector<20x4096xf32> -> vector<212x4096xf32>
    %get3A_20 = arith.constant 0 : index
    %get3A_21 = arith.constant 0 : index
    %get3A_22 = vector.load %arg10[%get3A_20, %get3A_21] : memref<256x212xf32, #tpu.memory_space<vmem>>, vector<256x212xf32>
    %dot_general3A = arith.constant dense<0.000000e+00> : vector<256x4096xf32>
    %dot_general3A_23 = tpu.matmul %get3A_22, %concatenate3A, %dot_general3A {dimension_numbers = #tpu.dot_dimension_numbers<[1], [0], [0], [1], [0, 0, 1, 1], [], []>, transpose_lhs_hint = false} : vector<256x212xf32>, vector<212x4096xf32>, vector<256x4096xf32> -> vector<256x4096xf32>
    %get3A_24 = arith.constant 0 : index
    %get3A_25 = arith.constant 0 : index
    %get3A_26 = vector.load %arg11[%get3A_24, %get3A_25] : memref<256x1xf32, #tpu.memory_space<vmem>>, vector<256x1xf32>
    %add3A = vector.broadcast %get3A_26 : vector<256x1xf32> to vector<256x4096xf32>
    %add3A_27 = arith.addf %dot_general3A_23, %add3A : vector<256x4096xf32>
    %max3A = arith.constant 0.000000e+00 : f32
    %max3A_28 = vector.broadcast %max3A : f32 to vector<256x4096xf32>
    %max3A_29 = arith.maximumf %add3A_27, %max3A_28 : vector<256x4096xf32>
    %get3A_30 = arith.constant 0 : index
    %get3A_31 = arith.constant 0 : index
    %get3A_32 = vector.load %arg12[%get3A_30, %get3A_31] : memref<128x256xf32, #tpu.memory_space<vmem>>, vector<128x256xf32>
    %dot_general3A_33 = arith.constant dense<0.000000e+00> : vector<128x4096xf32>
    %dot_general3A_34 = tpu.matmul %get3A_32, %max3A_29, %dot_general3A_33 {dimension_numbers = #tpu.dot_dimension_numbers<[1], [0], [0], [1], [0, 0, 1, 1], [], []>, transpose_lhs_hint = false} : vector<128x256xf32>, vector<256x4096xf32>, vector<128x4096xf32> -> vector<128x4096xf32>
    %get3A_35 = arith.constant 0 : index
    %get3A_36 = arith.constant 0 : index
    %get3A_37 = vector.load %arg13[%get3A_35, %get3A_36] : memref<128x1xf32, #tpu.memory_space<vmem>>, vector<128x1xf32>
    %add3A_38 = vector.broadcast %get3A_37 : vector<128x1xf32> to vector<128x4096xf32>
    %add3A_39 = arith.addf %dot_general3A_34, %add3A_38 : vector<128x4096xf32>
    %max3A_40 = arith.constant 0.000000e+00 : f32
    %max3A_41 = vector.broadcast %max3A_40 : f32 to vector<128x4096xf32>
    %max3A_42 = arith.maximumf %add3A_39, %max3A_41 : vector<128x4096xf32>
    %get3A_43 = arith.constant 0 : index
    %get3A_44 = arith.constant 0 : index
    %get3A_45 = vector.load %arg2[%get3A_43, %get3A_44] : memref<16x4096xf32, #tpu.memory_space<vmem>>, vector<16x4096xf32>
    %get3A_46 = arith.constant 0 : index
    %get3A_47 = arith.constant 0 : index
    %get3A_48 = vector.load %arg3[%get3A_46, %get3A_47] : memref<16x4096xf32, #tpu.memory_space<vmem>>, vector<16x4096xf32>
    %get3A_49 = arith.constant 2 : index
    %get3A_50 = arith.constant 0 : index
    %get3A_51 = vector.load %arg1[%get3A_49, %get3A_50] : memref<34x4096xf32, #tpu.memory_space<vmem>>, vector<6x4096xf32>
    %concatenate3A_52 = tpu.concatenate %get3A_45, %get3A_48, %get3A_51 in 0 : vector<16x4096xf32>, vector<16x4096xf32>, vector<6x4096xf32> -> vector<38x4096xf32>
    %concatenate3A_53 = tpu.concatenate %concatenate3A_52, %max3A_42 in 0 : vector<38x4096xf32>, vector<128x4096xf32> -> vector<166x4096xf32>
    %get3A_54 = arith.constant 0 : index
    %get3A_55 = arith.constant 0 : index
    %get3A_56 = vector.load %arg14[%get3A_54, %get3A_55] : memref<64x166xf32, #tpu.memory_space<vmem>>, vector<64x166xf32>
    %dot_general3A_57 = arith.constant dense<0.000000e+00> : vector<64x4096xf32>
    %dot_general3A_58 = tpu.matmul %get3A_56, %concatenate3A_53, %dot_general3A_57 {dimension_numbers = #tpu.dot_dimension_numbers<[1], [0], [0], [1], [0, 0, 1, 1], [], []>, transpose_lhs_hint = false} : vector<64x166xf32>, vector<166x4096xf32>, vector<64x4096xf32> -> vector<64x4096xf32>
    %get3A_59 = arith.constant 0 : index
    %get3A_60 = arith.constant 0 : index
    %get3A_61 = vector.load %arg15[%get3A_59, %get3A_60] : memref<64x1xf32, #tpu.memory_space<vmem>>, vector<64x1xf32>
    %add3A_62 = vector.broadcast %get3A_61 : vector<64x1xf32> to vector<64x4096xf32>
    %add3A_63 = arith.addf %dot_general3A_58, %add3A_62 : vector<64x4096xf32>
    %swap3A = arith.constant 0 : index
    %swap3A_64 = arith.constant 0 : index
    %swap3A_65 = vector.load %arg16[%swap3A, %swap3A_64] : memref<64x4096xf32, #tpu.memory_space<vmem>>, vector<64x4096xf32>
    tpu.vector_store %arg16[%swap3A, %swap3A_64], %add3A_63 {strides = array<i32>} : memref<64x4096xf32, #tpu.memory_space<vmem>>, vector<64x4096xf32>,
    return
  }
  func.func @transform_0(%arg0: i32) -> (i32, i32) {
    %c0_i32 = arith.constant 0 : i32
    %c0_i32_0 = arith.constant 0 : i32
    return %c0_i32, %arg0 : i32, i32
  }
  func.func @transform_1(%arg0: i32) -> (i32, i32) {
    %c0_i32 = arith.constant 0 : i32
    %c0_i32_0 = arith.constant 0 : i32
    return %c0_i32, %arg0 : i32, i32
  }
  func.func @transform_2(%arg0: i32) -> (i32, i32) {
    %c0_i32 = arith.constant 0 : i32
    %c0_i32_0 = arith.constant 0 : i32
    return %c0_i32, %arg0 : i32, i32
  }
  func.func @transform_3(%arg0: i32) -> (i32, i32) {
    %c0_i32 = arith.constant 0 : i32
    %c0_i32_0 = arith.constant 0 : i32
    return %c0_i32, %arg0 : i32, i32
  }
  func.func @transform_4(%arg0: i32) -> (i32, i32) {
    %c0_i32 = arith.constant 0 : i32
    %c0_i32_0 = arith.constant 0 : i32
    return %c0_i32, %arg0 : i32, i32
  }
  func.func @transform_5(%arg0: i32) -> (i32, i32) {
    %c0_i32 = arith.constant 0 : i32
    %c0_i32_0 = arith.constant 0 : i32
    return %c0_i32, %arg0 : i32, i32
  }
  func.func @transform_6(%arg0: i32) -> (i32, i32) {
    %c0_i32 = arith.constant 0 : i32
    %c0_i32_0 = arith.constant 0 : i32
    return %c0_i32, %arg0 : i32, i32
  }
  func.func @transform_7(%arg0: i32) -> (i32, i32) {
    %c0_i32 = arith.constant 0 : i32
    %c0_i32_0 = arith.constant 0 : i32
    return %c0_i32, %arg0 : i32, i32
  }
  func.func @transform_8(%arg0: i32) -> (i32, i32) {
    %c0_i32 = arith.constant 0 : i32
    %c0_i32_0 = arith.constant 0 : i32
    return %c0_i32, %arg0 : i32, i32
  }
  func.func @transform_9(%arg0: i32) -> (i32, i32) {
    %c0_i32 = arith.constant 0 : i32
    %c0_i32_0 = arith.constant 0 : i32
    %c0_i32_1 = arith.constant 0 : i32
    return %c0_i32, %c0_i32_0 : i32, i32
  }
  func.func @transform_10(%arg0: i32) -> (i32, i32) {
    %c0_i32 = arith.constant 0 : i32
    %c0_i32_0 = arith.constant 0 : i32
    %c0_i32_1 = arith.constant 0 : i32
    return %c0_i32, %c0_i32_0 : i32, i32
  }
  func.func @transform_11(%arg0: i32) -> (i32, i32) {
    %c0_i32 = arith.constant 0 : i32
    %c0_i32_0 = arith.constant 0 : i32
    %c0_i32_1 = arith.constant 0 : i32
    return %c0_i32, %c0_i32_0 : i32, i32
  }
  func.func @transform_12(%arg0: i32) -> (i32, i32) {
    %c0_i32 = arith.constant 0 : i32
    %c0_i32_0 = arith.constant 0 : i32
    %c0_i32_1 = arith.constant 0 : i32
    return %c0_i32, %c0_i32_0 : i32, i32
  }
  func.func @transform_13(%arg0: i32) -> (i32, i32) {
    %c0_i32 = arith.constant 0 : i32
    %c0_i32_0 = arith.constant 0 : i32
    %c0_i32_1 = arith.constant 0 : i32
    return %c0_i32, %c0_i32_0 : i32, i32
  }
  func.func @transform_14(%arg0: i32) -> (i32, i32) {
    %c0_i32 = arith.constant 0 : i32
    %c0_i32_0 = arith.constant 0 : i32
    %c0_i32_1 = arith.constant 0 : i32
    return %c0_i32, %c0_i32_0 : i32, i32
  }
  func.func @transform_15(%arg0: i32) -> (i32, i32) {
    %c0_i32 = arith.constant 0 : i32
    %c0_i32_0 = arith.constant 0 : i32
    return %c0_i32, %arg0 : i32, i32
  }
}

</mosaic_0001>

<sc_bundles>
// kernel: kernel.4.cloned.1.call-start
scs
__scs_entry_jumppad:
0x0: {  	(pc) =	sbr.rel $0x88, $3  }
0x1: {  	(tag) =	ssettag $0x0;
	lr =	simm.s32 $0x1  }
0x2: {  	[smem:$0x3F92] =	sst lr;
	_ =	strace $0xD0000000  }
0x3: {  	_ = 	snop  }
0x4: {  	_ = 	snop  }
0x5: {  	_ = 	snop  }
0x6: {  	_ = 	snop  }
0x7: {  	_ = 	snop  }
__scs_overlays_trampoline_lowered:
0x8: {  	[smem:$0x3FA1] =	sst s0  }
0x9: {  	[smem:$0x3FA2] =	sst s1  }
0xa: {  	[smem:$0x3FA3] =	sst s2  }
0xb: {  	[smem:$0x3FA4] =	sst s3  }
0xc: {  	[smem:$0x3FA5] =	sst s4  }
0xd: {  	[smem:$0x3FA6] =	sst s5  }
0xe: {  	[smem:$0x3FA7] =	sst s6  }
0xf: {  	[smem:$0x3FA8] =	sst s7  }
0x10: {  	[smem:$0x3FA9] =	sst s8  }
0x11: {  	[smem:$0x3FAA] =	sst s9;
	s0 =	simm.s32 @!p0 $0x0  }
0x12: {  	s1 =	sld [smem:$0x3F90];
	s0 =	simm.s32 @p0 $0x1  }
0x13: {  	[smem:$0x3FAB] =	sst s0;
	s0 =	simm.s32 @!p1 $0x0  }
0x14: {  	s2 =	sld [smem:$0x3F8F];
	s0 =	simm.s32 @p1 $0x1  }
0x15: {  	[smem:$0x3FAC] =	sst s0;
	s0 =	simm.s32 @!p2 $0x0  }
0x16: {  	s3 =	sld [smem:$0x3FDB];
	s0 =	simm.s32 @p2 $0x1  }
0x17: {  	s4 =	simm.s32 $0x1BF5;
	[smem:$0x3FAE] =	sst s0  }
0x18: {  	s0 =	sld [smem:$0x3F91];
	_ =	swait.ge [sflag:s4], $0x0  }
0x19: {  	s7 =	sld [smem:$0x3F92]  }
0x1a: {  	s8 =	sadd.s32 $0xFFFFE003, lr  }
0x1b: {  	s9 =	sadd.s32 $0xFFFFFEF7, lr;
	s5 =	simm.s32 $0xFFFFFFFF;
	p2 =	slt.u32 s8, $0xFFFFF086  }
0x1c: {  	p1 =	slt.u32 s9, $0xF7A;
	s5 =	simm.s32 @!p2 $0x0  }
0x1d: {  	s5 =	simm.s32 @p1 $0x1;
	p0 =	seq.s32 s7, s2  }
0x1e: {  	s7 =	smul.u32 @!p0 $0xF7A, s2;
	p2 =	seq.s32 @!p0 s5, $0x0  }
0x1f: {  	s9 =	smul.u32 $0xF7A, s1;
	s8 =	simm.s32 @!p0 $0x1BF5;
	p2 =	por !p2, p0  }
0x20: {  	[sflag:s8] =	ssyncset.s32 @!p0 $0xFFFFF086;
	s6 =	sadd.s32 @!p0 s3, s7;
	s7 =	simm.s32 @!p0 $0x108  }
0x21: {  	s3 =	sadd.s32 s3, s9;
	s6 =	sadd.s32 @!p0 $0x88, s6;
	s7 =	simm.s32 @p2 $0x1082  }
0x22: {  	[simem:s7], [sflag:s8] =	dma.local @!p0 [hbm:s6], $0xF7A  }
0x23: {  	s9 =	sor.u32 $0xD0000000, s2;
	s6 =	simm.s32 $0x108;
	_ =	swait.ge @!p0 [sflag:s8], $0x0  }
0x24: {  	s3 =	sadd.s32 $0x88, s3;
	s6 =	simm.s32 @!p1 $0x1082;
	[sflag:s4] =	ssyncset.s32 $0xFFFFF086  }
0x25: {  	[simem:s6], [sflag:s4] =	dma.local [hbm:s3], $0xF7A  }
0x26: {  	[smem:$0x3F92] =	sst s1;
	(tag) =	ssettag s2;
	_ =	strace s9  }
0x27: {  	s1 =	sld [smem:$0x3FA2]  }
0x28: {  	s2 =	sld [smem:$0x3FA3]  }
0x29: {  	s4 =	sld [smem:$0x3FA5]  }
0x2a: {  	p0 =	seq.s32 s5, $0x0;
	s5 =	sld [smem:$0x3FA6]  }
0x2b: {  	s6 =	sld [smem:$0x3FA7]  }
0x2c: {  	s7 =	sld [smem:$0x3FA8]  }
0x2d: {  	s3 =	simm.s32 $0x108;
	s8 =	sld [smem:$0x3FA9]  }
0x2e: {  	s3 =	simm.s32 @!p0 $0x1082;
	s9 =	sld [smem:$0x3FAA]  }
0x2f: {  	lr =	sadd.s32 s0, s3;
	s0 =	sld [smem:$0x3FA1]  }
0x30: {  	s3 =	sld [smem:$0x3FA4]  }
0x31: {  	[smem:$0x3FAD] =	sst s10  }
0x32: {  	s10 =	sld [smem:$0x3FAB];
	_ =	sdelay $0x3  }
0x33: {  	p0 =	seq.s32 s10, $0x1;
	s10 =	sld [smem:$0x3FAD];
	_ =	sdelay $0x3  }
0x34: {  	[smem:$0x3FAD] =	sst s10  }
0x35: {  	s10 =	sld [smem:$0x3FAC];
	_ =	sdelay $0x3  }
0x36: {  	p1 =	seq.s32 s10, $0x1;
	s10 =	sld [smem:$0x3FAD];
	_ =	sdelay $0x3  }
0x37: {  	[smem:$0x3FAD] =	sst s10  }
0x38: {  	s10 =	sld [smem:$0x3FAE]  }
0x39: {  	_ = 	snop;
	(pc) =	sbr.ind lr, $3  }
0x3a: {  	_ = 	snop  }
0x3b: {  	_ = 	snop  }
0x3c: {  	p2 =	seq.s32 s10, $0x1;
	s10 =	sld [smem:$0x3FAD]  }
0x3d: {  	_ =	shalt  }
0x3e: {  	_ =	shalt  }
0x3f: {  	_ =	shalt  }
0x40: {  	_ =	shalt  }
0x41: {  	_ =	shalt  }
0x42: {  	_ =	shalt  }
0x43: {  	_ =	shalt  }
0x44: {  	_ =	shalt  }
0x45: {  	_ =	shalt  }
0x46: {  	_ =	shalt  }
0x47: {  	_ =	shalt  }
0x48: {  	_ =	shalt  }
0x49: {  	_ =	shalt  }
0x4a: {  	_ =	shalt  }
0x4b: {  	_ =	shalt  }
0x4c: {  	_ =	shalt  }
0x4d: {  	_ =	shalt  }
0x4e: {  	_ =	shalt  }
0x4f: {  	_ =	shalt  }
0x50: {  	_ =	shalt  }
0x51: {  	_ =	shalt  }
0x52: {  	_ =	shalt  }
0x53: {  	_ =	shalt  }
0x54: {  	_ =	shalt  }
0x55: {  	_ =	shalt  }
0x56: {  	_ =	shalt  }
0x57: {  	_ =	shalt  }
0x58: {  	_ =	shalt  }
0x59: {  	_ =	shalt  }
0x5a: {  	_ =	shalt  }
0x5b: {  	_ =	shalt  }
0x5c: {  	_ =	shalt  }
0x5d: {  	_ =	shalt  }
0x5e: {  	_ =	shalt  }
0x5f: {  	_ =	shalt  }
0x60: {  	_ =	shalt  }
0x61: {  	_ =	shalt  }
0x62: {  	_ =	shalt  }
0x63: {  	_ =	shalt  }
0x64: {  	_ =	shalt  }
0x65: {  	_ =	shalt  }
0x66: {  	_ =	shalt  }
0x67: {  	_ =	shalt  }
0x68: {  	_ =	shalt  }
0x69: {  	_ =	shalt  }
0x6a: {  	_ =	shalt  }
0x6b: {  	_ =	shalt  }
0x6c: {  	_ =	shalt  }
0x6d: {  	_ =	shalt  }
0x6e: {  	_ =	shalt  }
0x6f: {  	_ =	shalt  }
0x70: {  	_ =	shalt  }
0x71: {  	_ =	shalt  }
0x72: {  	_ =	shalt  }
0x73: {  	_ =	shalt  }
0x74: {  	_ =	shalt  }
0x75: {  	_ =	shalt  }
0x76: {  	_ =	shalt  }
0x77: {  	_ =	shalt  }
0x78: {  	_ =	shalt  }
0x79: {  	_ =	shalt  }
0x7a: {  	_ =	shalt  }
0x7b: {  	_ =	shalt  }
0x7c: {  	_ =	shalt  }
0x7d: {  	_ =	shalt  }
0x7e: {  	_ =	shalt  }
0x7f: {  	_ =	shalt  }
0x80: {  	_ =	shalt  }
0x81: {  	_ =	shalt  }
0x82: {  	_ =	shalt  }
0x83: {  	_ =	shalt  }
0x84: {  	_ =	shalt  }
0x85: {  	_ =	shalt  }
0x86: {  	_ =	shalt  }
0x87: {  	_ =	shalt  }
.Lfunc_end0:
.L_simem_size_0:
called_computation_lowered:
.L_overlay_start_0:
0x88: {  	s2 =	sld [smem:$0x3FD9]  }
0x89: {  	s3 =	sld [smem:$0x3FFE];
	_ =	sdelay $0x1  }
0x8a: {  	s1 =	srdreg.scid  }
0x8b: {  	s0 =	sand.u32 $0x1, s1  }
0x8c: {  	s17 =	sshll.u32 s0, $0xA;
	s2 =	sadd.s32 s3, s2  }
0x8d: {  	s2 =	sadd.s32 s2, s17  }
0x8e: {  	[smem:$0x3FB9] =	sst s2  }
0x8f: {  	_ = 	snop  }
0x90: {  	s2 =	sld [smem:$0x3FC8]  }
0x91: {  	s18 =	sld [smem:$0x3FC7]  }
0x92: {  	s4 =	sld [smem:$0x3FC6]  }
0x93: {  	s5 =	sld [smem:$0x3FC5]  }
0x94: {  	s6 =	sld [smem:$0x3FC4]  }
0x95: {  	s7 =	sld [smem:$0x3FC3]  }
0x96: {  	s8 =	sld [smem:$0x3FC2]  }
0x97: {  	s9 =	sld [smem:$0x3FC1]  }
0x98: {  	s10 =	sld [smem:$0x3FD0];
	(tm) =	ssettm $0x1  }
0x99: {  	s11 =	sld [smem:$0x3FFB];
	_ =	sdelay $0x3  }
0x9a: {  	_ =	strace s11  }
0x9b: {  	s11 =	sld [smem:$0x3FFC];
	_ =	sdelay $0x3  }
0x9c: {  	_ =	strace s11  }
0x9d: {  	s11 =	sld [smem:$0x3FFD];
	_ =	sdelay $0x3  }
0x9e: {  	_ =	strace s11  }
0x9f: {  	_ =	strace $0x8FFFFFFF  }
0xa0: {  	s19 =	sld [smem:$0x3FDB];
	_ =	sdelay $0x1  }
0xa1: {  	s12 =	simm.s32 $_scs_section_size  }
0xa2: {  	s13 =	simm.s32 $_size__tile_overlayer_lowered;
	s14 =	simm.s32 $_tile_overlayer_lowered  }
0xa3: {  	s22 =	simm.s32 $0x1BFF;
	s21 =	sshll.u32 s14, $0x1;
	s11 =	sadd.s32 s12, s19  }
0xa4: {  	s15 =	simm.s32 $0x0;
	s20 =	sshll.u32 s13, $0x1;
	s13 =	sadd.s32 s21, s11  }
0xa5: {  	[timem:s15], [sflag:s22] =	dma.local [hbm:s13], s20  }
0xa6: {  	_ =	swait.ge [sflag:s22], s20  }
0xa7: {  	s12 =	ssub.s32 $0x0, s20;
	[sflag:s22] =	ssyncset.done $0x0  }
0xa8: {  	[sflag:s22] =	ssyncadd.s32 s12;
	_ =	sdelay $0x1  }
0xa9: {  	s23 =	simm.s32 $0x1B8B  }
0xaa: {  	_ =	swait.ge [sflag:s23], $0x1  }
0xab: {  	[sflag:s23] =	ssyncset.done $0x0  }
0xac: {  	s25 =	simm.s32 $0x1B8E;
	s24 =	sld [smem:$0x3FFE];
	[sflag:s23] =	ssyncadd.s32 $0xFFFFFFFF  }
0xad: {  	s26 =	simm.s32 $execute0_lowered;
	[smem:$0x3FD2] =	sst s25  }
0xae: {  	s13 =	sshll.u32 s26, $0x1;
	_ =	strace $0x80000046;
	[dreg:$0x1] =	wrdreg $0xFFFFFFFF  }
0xaf: {  	s28 =	simm.s32 $_size_execute0_lowered;
	s11 =	sadd.s32 s11, s13;
	[dreg:$0x0] =	wrdreg $0x0  }
0xb0: {  	s13 =	sshll.u32 s28, $0x1;
	[dreg:$0x2] =	wrdreg s11  }
0xb1: {  	[dreg:$0x3] =	wrdreg s13  }
0xb2: {  	[dreg:$0x4] =	wrdreg $0xC0  }
0xb3: {  	_ =	task [dreg:s15], $0x5FFFF  }
0xb4: {  	[dreg:$0x1] =	wrdreg $0xFFFFFFFF  }
0xb5: {  	[dreg:$0x0] =	wrdreg $0x60  }
0xb6: {  	[dreg:$0x2] =	wrdreg s24  }
0xb7: {  	[dreg:$0x3] =	wrdreg s2  }
0xb8: {  	[dreg:$0x4] =	wrdreg s18  }
0xb9: {  	[dreg:$0x5] =	wrdreg s4  }
0xba: {  	[dreg:$0x6] =	wrdreg s5  }
0xbb: {  	[dreg:$0x7] =	wrdreg s6  }
0xbc: {  	[dreg:$0x8] =	wrdreg s7  }
0xbd: {  	[dreg:$0x9] =	wrdreg s8  }
0xbe: {  	[dreg:$0xa] =	wrdreg s9  }
0xbf: {  	[dreg:$0xb] =	wrdreg s10  }
0xc0: {  	[dreg:$0xc] =	wrdreg $0x9  }
0xc1: {  	_ =	task.clear_ibuf [dreg:s15], $0xDFFFF;
	_ =	strace $0x90000046  }
0xc2: {  	s29 =	simm.s32 $0x9;
	_ =	strace $0x80000048  }
0xc3: {  	_ =	swait.ge [sflag:s29], $0x1  }
0xc4: {  	[sflag:s29] =	ssyncadd.s32 $0xFFFFFFFF  }
0xc5: {  	_ =	strace $0x90000048  }
0xc6: {  	_ =	sfence  }
0xc7: {  	s30 =	sld [smem:$0x0];
	_ =	sdelay $0x2  }
0xc8: {  	s31 =	sshll.u32 s1, $0xD;
	s1 =	sshrl.u32 s1, $0x2  }
0xc9: {  	s3 =	sand.u32 $0x4000, s31;
	s1 =	sadd.s32 s1, s30  }
0xca: {  	s0 =	sor.u32 s3, s0;
	s1 =	sshll.u32 s1, $0x11  }
0xcb: {  	s0 =	sor.u32 s1, s0  }
0xcc: {  	s0 =	sadd.s32 $0x8F2B, s0  }
0xcd: {  	[sflag:s0] =	ssyncadd.remote.s32 $0x1  }
0xce: {  	_ =	sfence.sel $0xFFFF  }
0xcf: {  	[dreg:$0x0] =	wrdreg $0xFFFFFFFF;
	(pc) =	sbr.abs _section_cstart, $3  }
0xd0: {  	[dreg:$0x1] =	wrdreg $0xFFFFFFFF  }
0xd1: {  	_ =	task.clear_ibuf [dreg:s15], $0x2FFFF;
	_ =	strace $0x9FFFFFFF  }
0xd2: {  	(tm) =	ssettm $0x7FFFFFFF  }
0xd3: {  	_ =	shalt  }
tec
execute0_lowered:
.L_overlay_start_1:
0x0: {  	(tag) =	ssettag $0x1  }
0x1: {  	s11 =	rddreg [dreg:$0x0]  }
0x2: {  	s20 =	rddreg [dreg:$0x2]  }
0x3: {  	s7 =	rddreg [dreg:$0x3]  }
0x4: {  	s0 =	srdreg.scid;
	s5 =	stileid.u32  }
0x5: {  	s1 =	sand.u32 $0x1, s0;
	s19 =	sshll.u32 s5, $0x1;
	s5 =	smul.u32 $0xFFFFFFF2, s5  }
0x6: {  	s2 =	sor.u32 s1, s19;
	s21 =	ssub.s32 $0x2, s1;
	s1 =	smul.u32 $0xFFFFFFF9, s1  }
0x7: {  	s9 =	rddreg [dreg:$0x4];
	s8 =	smul.u32 $0x7, s2;
	s3 =	sshrl.u32 s21, $0x1  }
0x8: {  	s10 =	simm.s32 $0x0;
	s0 =	ssub.s32 s21, s3;
	s1 =	sadd.s32 s5, s1  }
0x9: {  	s12 =	ssub.s32 $0x10, s8;
	s14 =	ssub.s32 $0x20, s8;
	s4 =	sadd.s32 $0xFFFFFFE6, s8  }
0xa: {  	s22 =	sadd.s32 $0xFFFFFFF6, s8;
	p1 =	sgt.u32 s4, $0x25;
	s4 =	ssub.s32 $0xA0, s8  }
0xb: {  	s16 =	ssub.s32 $0x40, s8;
	s18 =	ssub.s32 $0x60, s8;
	p6 =	sgt.s32 s4, $0x0  }
0xc: {  	s21 =	smin.u32 s4, $0x7;
	s4 =	simm.s32 @!p6 $0x0;
	p6 =	sgt.u32 s2, $0x2  }
0xd: {  	s6 =	sadd.s32 $0xFFFFFFC6, s8;
	s25 =	sadd.s32 $0xFFFFFF86, s8;
	s3 =	simm.s32 @!p6 $0x0  }
0xe: {  	p0 =	sgt.s32 s12, $0x0;
	s3 =	simm.s32 @p6 $0x1;
	p6 =	slt.u32 s2, $0x1B  }
0xf: {  	[smem:$0x7F0] =	sst s3;
	s2 =	simm.s32 @!p6 $0x0;
	s3 =	ssub.s32 $0xC0, s8  }
0x10: {  	s13 =	smin.u32 s14, $0x7;
	s2 =	simm.s32 @p6 $0x1;
	p6 =	sgt.s32 s3, $0x0  }
0x11: {  	[smem:$0x7F1] =	sst s2;
	s2 =	sadd.s32 $0x10, s1;
	s1 =	simm.s32 @!p6 $0x0  }
0x12: {  	s15 =	smin.u32 s16, $0x7;
	s1 =	simm.s32 @p6 $0x1;
	p6 =	sgt.s32 s2, $0x1  }
0x13: {  	s17 =	smin.u32 s18, $0x7;
	[smem:$0x7F2] =	sst s1;
	s1 =	simm.s32 @!p6 $0x0  }
0x14: {  	p2 =	sgt.u32 s6, $0x25;
	s1 =	simm.s32 @p6 $0x1;
	s5 =	sld [smem:$0x7F2]  }
0x15: {  	s12 =	simm.s32 @!p0 $0x0;
	p0 =	sgt.s32 s14, $0x0;
	[smem:$0x7F3] =	sst s1  }
0x16: {  	s14 =	simm.s32 @!p0 $0x0;
	p0 =	sgt.s32 s16, $0x0;
	s6 =	sld [smem:$0x7F3]  }
0x17: {  	p4 =	sgt.u32 s25, $0x25;
	s16 =	simm.s32 @!p0 $0x0;
	p0 =	sgt.s32 s18, $0x0  }
0x18: {  	s18 =	simm.s32 @!p0 $0x0;
	p0 =	sgt.u32 s22, $0x15;
	p6 =	seq.s32 s5, $0x1  }
0x19: {  	s25 =	smin.u32 s3, $0x7;
	s3 =	simm.s32 @!p6 $0x0;
	p6 =	seq.s32 s6, $0x1  }
0x1a: {  	[smem:$0x7FF] =	sst s10;
	s2 =	simm.s32 @!p6 $0x1;
	p6 =	sge.u32 @!p0 s12, s13  }
0x1b: {  	s0 =	smax.u32 s0, $0x1;
	[dreg:$0x11] =	wrdreg s3;
	p6 =	por p0, p6  }
0x1c: {  	_ =	strace $0x80000047;
	[dreg:$0x1a] =	wrdreg s0;
	s0 =	simm.s32 @!p6 $0x0  }
0x1d: {  	s0 =	simm.s32 @p6 $0x1;
	p6 =	sge.u32 @!p1 s14, s15  }
0x1e: {  	s23 =	sadd.s32 $0xFFFFFFA6, s8;
	[smem:$0x7F4] =	sst s0;
	s0 =	simm.s32 @!p6 $0x0  }
0x1f: {  	s24 =	ssub.s32 $0x80, s8;
	[dreg:$0xc] =	wrdreg s14;
	s0 =	simm.s32 @p6 $0x1  }
0x20: {  	s19 =	smin.u32 s24, $0x7;
	p6 =	sge.u32 @!p2 s16, s17;
	[smem:$0x7F5] =	sst s0  }
0x21: {  	p3 =	sgt.s32 s24, $0x0;
	s0 =	simm.s32 @!p6 $0x0;
	s14 =	sld [smem:$0x7F5]  }
0x22: {  	s24 =	simm.s32 @!p3 $0x0;
	[dreg:$0xd] =	wrdreg s16;
	s0 =	simm.s32 @p6 $0x1  }
0x23: {  	p3 =	sgt.u32 s23, $0x25;
	s23 =	sadd.s32 $0x2610, s11;
	[smem:$0x7F7] =	sst s0  }
0x24: {  	s22 =	sadd.s32 $0x2600, s11;
	s16 =	sld [smem:$0x7F7];
	p6 =	seq.s32 s14, $0x1  }
0x25: {  	s5 =	sadd.s32 $0x2620, s11;
	[dreg:$0x12] =	wrdreg s22;
	p6 =	por p1, p6  }
0x26: {  	s6 =	sadd.s32 $0x2630, s11;
	[dreg:$0x13] =	wrdreg s23;
	s0 =	simm.s32 @!p6 $0x0  }
0x27: {  	[dreg:$0x14] =	wrdreg s5;
	s0 =	simm.s32 @p6 $0x1;
	p6 =	seq.s32 s16, $0x1  }
0x28: {  	s28 =	sadd.s32 $0x17600, s11;
	[dreg:$0x15] =	wrdreg s6;
	p6 =	por p2, p6  }
0x29: {  	s29 =	sadd.s32 $0x19600, s11;
	[smem:$0x7F6] =	sst s0;
	s0 =	simm.s32 @!p6 $0x0  }
0x2a: {  	[dreg:$0xb] =	wrdreg s12;
	s0 =	simm.s32 @p6 $0x1;
	p6 =	sge.u32 @!p3 s18, s19  }
0x2b: {  	s30 =	sadd.s32 $0x3600, s11;
	[dreg:$0xe] =	wrdreg s18;
	p6 =	por p3, p6  }
0x2c: {  	s31 =	sadd.s32 $0x7600, s11;
	[smem:$0x7F8] =	sst s0;
	s0 =	simm.s32 @!p6 $0x0  }
0x2d: {  	[dreg:$0xf] =	wrdreg s24;
	s0 =	simm.s32 @p6 $0x1;
	p6 =	sge.u32 @!p4 s24, s21  }
0x2e: {  	s26 =	sadd.s32 $0xFFFFFF66, s8;
	[smem:$0x7F9] =	sst s0;
	s0 =	simm.s32 @!p6 $0x0  }
0x2f: {  	p5 =	sgt.u32 s26, $0x25;
	[dreg:$0x10] =	wrdreg s4;
	s0 =	simm.s32 @p6 $0x1  }
0x30: {  	s26 =	sadd.s32 $0x13600, s11;
	p6 =	sge.u32 @!p5 s4, s25;
	[smem:$0x7FA] =	sst s0  }
0x31: {  	s23 =	sadd.s32 $0x2640, s11;
	s0 =	simm.s32 @!p6 $0x0;
	s18 =	sld [smem:$0x7FA]  }
0x32: {  	s1 =	sadd.s32 $0xF600, s11;
	[dreg:$0x16] =	wrdreg s23;
	s0 =	simm.s32 @p6 $0x1  }
0x33: {  	s22 =	sadd.s32 $0xB600, s11;
	s5 =	sadd.s32 $0x2650, s11;
	[smem:$0x7FC] =	sst s0  }
0x34: {  	s6 =	sadd.s32 $0x2660, s11;
	s24 =	sld [smem:$0x7FC];
	p6 =	seq.s32 s18, $0x1  }
0x35: {  	s11 =	sadd.s32 $0x2670, s11;
	[dreg:$0x17] =	wrdreg s5;
	p6 =	por p4, p6  }
0x36: {  	s12 =	simm.s32 $0x400;
	[dreg:$0x18] =	wrdreg s6;
	s0 =	simm.s32 @!p6 $0x0  }
.Ltmp0:
0x37: {  	s0 =	simm.s32 @p6 $0x1;
	p6 =	seq.s32 s24, $0x1;
	(pc) =	sbr.rel .LBB2_1-.Ltmp0, $4  }
0x38: {  	[dreg:$0x19] =	wrdreg s11;
	s23 =	smin.u32 s2, $0x7;
	p6 =	por p5, p6  }
0x39: {  	s11 =	simm.s32 $0x80;
	[smem:$0x7FB] =	sst s0;
	s0 =	simm.s32 @!p6 $0x0  }
0x3a: {  	s2 =	simm.s32 $0x0;
	s14 =	simm.s32 $0x2;
	s0 =	simm.s32 @p6 $0x1  }
0x3b: {  	s16 =	simm.s32 $0x1;
	s18 =	simm.s32 $0x19700;
	[smem:$0x7FD] =	sst s0  }
.LBB2_35:
0x3c: {  	s2 =	rddreg [dreg:$0x1b]  }
0x3d: {  	s0 =	rddreg [dreg:$0x1a];
	s2 =	sadd.s32 $0x1, s2  }
0x3e: {  	p6 =	sne.s32 s2, s0  }
.Ltmp1:
0x3f: {  	_ = 	snop;
	(pc) =	sbr.rel @!p6 .LBB2_36-.Ltmp1, $1  }
0x40: {  	_ =	sdelay $0x3  }
.LBB2_1:
0x41: {  	s0 =	sld [smem:$0x7F0];
	_ =	sdelay $0x2  }
0x42: {  	p6 =	seq.s32 s0, $0x1  }
.Ltmp2:
0x43: {  	_ = 	snop;
	(pc) =	sbr.rel @p6 .LBB2_6-.Ltmp2, $3  }
0x44: {  	_ =	sdelay $0x1  }
0x45: {  	[dreg:$0x1b] =	wrdreg s2  }
0x46: {  	s24 =	smov.u32 s9;
	s9 =	smov.u32 s7;
	s7 =	smov.u32 s20  }
0x47: {  	s0 =	rddreg [dreg:$0x12];
	s2 =	simm.s32 $0x18700  }
0x48: {  	[tilespmem:s2], [sflag:$0x2] =	stream.strided.gather [hbm4b:s0+s11], $0x1000, s12, s11, $0x38;
	[tilespmem:$0x1A700] =	vst v63  }
0x49: {  	_ =	swait.ge [sflag:s14], $0x1000  }
0x4a: {  	[sflag:s14] =	ssyncset.done $0x0  }
0x4b: {  	s0 =	simm.s32 $0x0;
	s2 =	simm.s32 $0x0;
	[sflag:s14] =	ssyncadd.s32 $0xFFFFF000  }
.LBB2_3:
0x4c: {  	s4 =	sadd.s32 s8, s2  }
0x4d: {  	s3 =	sshrl.u32 s4, $0x3  }
0x4e: {  	s4 =	sshll.u32 s4, $0x7;
	s5 =	smul.u32 $0xC3800, s3  }
0x4f: {  	s4 =	sand.u32 $0x380, s4  }
0x50: {  	s5 =	sor.u32 s4, s5  }
0x51: {  	s6 =	rddreg [dreg:$0x1];
	s5 =	sshrl.u32 s5, $0x3  }
0x52: {  	s5 =	sadd.s32 s6, s5  }
0x53: {  	[tilespmem:s0], [sflag:$0x1] =	stream.strided.gather [hbm4b:s5+s11], $0x18700, s12, s11, $0x38;
	[tilespmem:$0x1A700] =	vst v63  }
0x54: {  	_ =	swait.ge [sflag:s16], $0x18700  }
0x55: {  	[sflag:s16] =	ssyncset.done $0x0  }
0x56: {  	s5 =	simm.s32 $0x0;
	[sflag:s16] =	ssyncadd.s32 $0xFFFE7900  }
0x57: {  	v1 =	vld [tilespmem:s5+$0x18700];
	_ =	sdelay $0x5  }
0x58: {  	v0 =	vld [tilespmem:s5+$0x18710];
	_ =	sdelay $0x1  }
0x59: {  	v1 =	vld.idx.msk [tilespmem:v1+s10+$0x0], $0xffff;
	_ =	sdelay $0x3  }
0x5a: {  	s20 =	simm.s32 $0x20;
	s6 =	simm.s32 $0x100  }
.LBB2_4:
0x5b: {  	p6 =	sne.s32 s6, $0x3F80;
	v2 =	vld [tilespmem:s20+$0x18700];
	[tilespmem:s5+$0x19700] =	vst v1  }
0x5c: {  	v1 =	vld.idx.msk [tilespmem:v0+s10+$0x0], $0xffff;
	_ =	sdelay $0x5  }
0x5d: {  	v0 =	vld [tilespmem:s20+$0x18710];
	[tilespmem:s5+$0x19710] =	vst v1;
	s5 =	smov.u32 s20  }
0x5e: {  	v1 =	vld.idx.msk [tilespmem:v2+s10+$0x0], $0xffff  }
.Ltmp3:
0x5f: {  	(pc) =	sbr.rel @p6 .LBB2_4-.Ltmp3, $2  }
0x60: {  	_ =	sdelay $0x2  }
0x61: {  	s20 =	sshra.s32 s6, $0x2;
	s6 =	sadd.s32 $0x80, s6  }
0x62: {  	_ =	sdelay $0x1  }
0x63: {  	v2 =	vld [tilespmem:s20+$0x18700]  }
0x64: {  	[tilespmem:s5+$0x19700] =	vst v1  }
0x65: {  	v0 =	vld.idx.msk [tilespmem:v0+s10+$0x0], $0xffff;
	_ =	sdelay $0x3  }
0x66: {  	v1 =	vld [tilespmem:s20+$0x18710]  }
0x67: {  	[tilespmem:s5+$0x19710] =	vst v0  }
0x68: {  	v0 =	vld.idx.msk [tilespmem:v2+s10+$0x0], $0xffff;
	_ =	sdelay $0x4  }
0x69: {  	[tilespmem:s20+$0x19700] =	vst v0  }
0x6a: {  	v0 =	vld.idx.msk [tilespmem:v1+s10+$0x0], $0xffff;
	_ =	sdelay $0x1  }
0x6b: {  	s3 =	sshll.u32 s3, $0xF  }
0x6c: {  	s2 =	sadd.s32 $0x1, s2;
	s3 =	sor.u32 s4, s3  }
0x6d: {  	p6 =	sne.s32 s2, s23;
	s3 =	sshrl.u32 s3, $0x3  }
.Ltmp4:
0x6e: {  	s3 =	sadd.s32 s28, s3;
	[tilespmem:s20+$0x19710] =	vst v0;
	(pc) =	sbr.rel @p6 .LBB2_3-.Ltmp4, $4  }
0x6f: {  	[hbm4b:s3+s11] =	stream.strided.scatter [tilespmem:s18], [sflag:$0x2], $0x1000, s12, s11, $0x38;
	[tilespmem:$0x1A700] =	vst v63  }
0x70: {  	_ =	swait.ge [sflag:s14], $0x1000  }
0x71: {  	[sflag:s14] =	ssyncset.done $0x0  }
0x72: {  	[sflag:s14] =	ssyncadd.s32 $0xFFFFF000  }
.LBB2_6:
0x73: {  	s0 =	simm.s32 @!p0 $0x80  }
0x74: {  	s2 =	simm.s32 @!p0 $0x400;
	s3 =	simm.s32 @!p0 $0x18700;
	s4 =	rddreg [dreg:$0x13]  }
0x75: {  	[tilespmem:s3], [sflag:$0x2] =	stream.strided.gather @!p0 [hbm4b:s4+s0], $0x1000, s2, s0, $0x38;
	[tilespmem:$0x1A700] =	vst v63  }
0x76: {  	s0 =	simm.s32 @!p0 $0x2  }
0x77: {  	_ =	swait.ge @!p0 [sflag:s0], $0x1000  }
0x78: {  	s6 =	sld [smem:$0x7F4];
	_ =	sdelay $0x2  }
0x79: {  	p6 =	seq.s32 s6, $0x1  }
.Ltmp5:
0x7a: {  	_ = 	snop;
	(pc) =	sbr.rel @p6 .LBB2_10-.Ltmp5, $4  }
0x7b: {  	_ = 	snop  }
0x7c: {  	[sflag:s0] =	ssyncset.done @!p0 $0x0  }
0x7d: {  	s20 =	smov.u32 s7;
	[sflag:s0] =	ssyncadd.s32 @!p0 $0xFFFFF000;
	s0 =	rddreg [dreg:$0xb]  }
0x7e: {  	s7 =	smov.u32 s9;
	s9 =	smov.u32 s24;
	s24 =	rddreg [dreg:$0x5]  }
.LBB2_7:
0x7f: {  	s3 =	sadd.s32 s8, s0  }
0x80: {  	s2 =	sadd.s32 $0xFFFFFFF0, s3  }
0x81: {  	s2 =	sshrl.u32 s2, $0x3  }
0x82: {  	s3 =	sshll.u32 s3, $0x7;
	s4 =	smul.u32 $0xC3800, s2  }
0x83: {  	s3 =	sand.u32 $0x380, s3  }
0x84: {  	s4 =	sor.u32 s3, s4  }
0x85: {  	s4 =	sshrl.u32 s4, $0x3  }
0x86: {  	s5 =	simm.s32 $0x0;
	s4 =	sadd.s32 s20, s4  }
0x87: {  	[tilespmem:s5], [sflag:$0x1] =	stream.strided.gather [hbm4b:s4+s11], $0x18700, s12, s11, $0x38;
	[tilespmem:$0x1A700] =	vst v63  }
0x88: {  	_ =	swait.ge [sflag:s16], $0x18700  }
0x89: {  	[sflag:s16] =	ssyncset.done $0x0  }
0x8a: {  	s4 =	simm.s32 $0x0;
	[sflag:s16] =	ssyncadd.s32 $0xFFFE7900  }
0x8b: {  	v1 =	vld [tilespmem:s4+$0x18700];
	_ =	sdelay $0x5  }
0x8c: {  	v0 =	vld [tilespmem:s4+$0x18710];
	_ =	sdelay $0x1  }
0x8d: {  	v1 =	vld.idx.msk [tilespmem:v1+s10+$0x0], $0xffff;
	_ =	sdelay $0x3  }
0x8e: {  	s6 =	simm.s32 $0x100;
	s5 =	simm.s32 $0x20  }
.LBB2_8:
0x8f: {  	p6 =	sne.s32 s6, $0x3F80;
	v2 =	vld [tilespmem:s5+$0x18700];
	[tilespmem:s4+$0x19700] =	vst v1  }
0x90: {  	v1 =	vld.idx.msk [tilespmem:v0+s10+$0x0], $0xffff;
	_ =	sdelay $0x5  }
0x91: {  	v0 =	vld [tilespmem:s5+$0x18710];
	[tilespmem:s4+$0x19710] =	vst v1;
	s4 =	smov.u32 s5  }
0x92: {  	v1 =	vld.idx.msk [tilespmem:v2+s10+$0x0], $0xffff  }
.Ltmp6:
0x93: {  	(pc) =	sbr.rel @p6 .LBB2_8-.Ltmp6, $2  }
0x94: {  	_ =	sdelay $0x2  }
0x95: {  	s5 =	sshra.s32 s6, $0x2;
	s6 =	sadd.s32 $0x80, s6  }
0x96: {  	_ =	sdelay $0x1  }
0x97: {  	v2 =	vld [tilespmem:s5+$0x18700]  }
0x98: {  	[tilespmem:s4+$0x19700] =	vst v1  }
0x99: {  	v0 =	vld.idx.msk [tilespmem:v0+s10+$0x0], $0xffff;
	_ =	sdelay $0x3  }
0x9a: {  	v1 =	vld [tilespmem:s5+$0x18710]  }
0x9b: {  	[tilespmem:s4+$0x19710] =	vst v0  }
0x9c: {  	v0 =	vld.idx.msk [tilespmem:v2+s10+$0x0], $0xffff;
	_ =	sdelay $0x4  }
0x9d: {  	[tilespmem:s5+$0x19700] =	vst v0  }
0x9e: {  	v0 =	vld.idx.msk [tilespmem:v1+s10+$0x0], $0xffff;
	_ =	sdelay $0x1  }
0x9f: {  	s2 =	sshll.u32 s2, $0xF  }
0xa0: {  	s0 =	sadd.s32 $0x1, s0;
	s2 =	sor.u32 s3, s2  }
0xa1: {  	p6 =	slt.u32 s0, s13;
	s2 =	sshrl.u32 s2, $0x3  }
.Ltmp7:
0xa2: {  	s2 =	sadd.s32 s29, s2;
	[tilespmem:s5+$0x19710] =	vst v0;
	(pc) =	sbr.rel @p6 .LBB2_7-.Ltmp7, $4  }
0xa3: {  	[hbm4b:s2+s11] =	stream.strided.scatter [tilespmem:s18], [sflag:$0x2], $0x1000, s12, s11, $0x38;
	[tilespmem:$0x1A700] =	vst v63  }
0xa4: {  	_ =	swait.ge [sflag:s14], $0x1000  }
0xa5: {  	[sflag:s14] =	ssyncset.done $0x0  }
0xa6: {  	[sflag:s14] =	ssyncadd.s32 $0xFFFFF000  }
.LBB2_10:
0xa7: {  	s0 =	simm.s32 @!p1 $0x80  }
0xa8: {  	s2 =	simm.s32 @!p1 $0x400;
	s3 =	simm.s32 @!p1 $0x18700;
	s4 =	rddreg [dreg:$0x14]  }
0xa9: {  	[tilespmem:s3], [sflag:$0x2] =	stream.strided.gather @!p1 [hbm4b:s4+s0], $0x1000, s2, s0, $0x38;
	[tilespmem:$0x1A700] =	vst v63  }
0xaa: {  	s0 =	simm.s32 @!p1 $0x2  }
0xab: {  	_ =	swait.ge @!p1 [sflag:s0], $0x1000  }
0xac: {  	s6 =	sld [smem:$0x7F6];
	_ =	sdelay $0x2  }
0xad: {  	p6 =	seq.s32 s6, $0x1  }
.Ltmp8:
0xae: {  	_ = 	snop;
	(pc) =	sbr.rel @p6 .LBB2_14-.Ltmp8, $3  }
0xaf: {  	_ =	sdelay $0x1  }
0xb0: {  	[sflag:s0] =	ssyncset.done @!p1 $0x0  }
0xb1: {  	[sflag:s0] =	ssyncadd.s32 @!p1 $0xFFFFF000;
	s0 =	rddreg [dreg:$0xc]  }
.LBB2_11:
0xb2: {  	s3 =	sadd.s32 s8, s0  }
0xb3: {  	s2 =	sadd.s32 $0xFFFFFFE0, s3  }
0xb4: {  	s2 =	sshrl.u32 s2, $0x3  }
0xb5: {  	s3 =	sshll.u32 s3, $0x7;
	s4 =	smul.u32 $0xC3800, s2  }
0xb6: {  	s3 =	sand.u32 $0x380, s3  }
0xb7: {  	s4 =	sor.u32 s3, s4  }
0xb8: {  	s4 =	sshrl.u32 s4, $0x3  }
0xb9: {  	s5 =	simm.s32 $0x0;
	s4 =	sadd.s32 s7, s4  }
0xba: {  	[tilespmem:s5], [sflag:$0x1] =	stream.strided.gather [hbm4b:s4+s11], $0x18700, s12, s11, $0x38;
	[tilespmem:$0x1A700] =	vst v63  }
0xbb: {  	_ =	swait.ge [sflag:s16], $0x18700  }
0xbc: {  	[sflag:s16] =	ssyncset.done $0x0  }
0xbd: {  	s4 =	simm.s32 $0x0;
	[sflag:s16] =	ssyncadd.s32 $0xFFFE7900  }
0xbe: {  	v1 =	vld [tilespmem:s4+$0x18700];
	_ =	sdelay $0x5  }
0xbf: {  	v0 =	vld [tilespmem:s4+$0x18710];
	_ =	sdelay $0x1  }
0xc0: {  	v1 =	vld.idx.msk [tilespmem:v1+s10+$0x0], $0xffff;
	_ =	sdelay $0x3  }
0xc1: {  	s6 =	simm.s32 $0x100;
	s5 =	simm.s32 $0x20  }
.LBB2_12:
0xc2: {  	p6 =	sne.s32 s6, $0x3F80;
	v2 =	vld [tilespmem:s5+$0x18700];
	[tilespmem:s4+$0x19700] =	vst v1  }
0xc3: {  	v1 =	vld.idx.msk [tilespmem:v0+s10+$0x0], $0xffff;
	_ =	sdelay $0x5  }
0xc4: {  	v0 =	vld [tilespmem:s5+$0x18710];
	[tilespmem:s4+$0x19710] =	vst v1;
	s4 =	smov.u32 s5  }
0xc5: {  	v1 =	vld.idx.msk [tilespmem:v2+s10+$0x0], $0xffff  }
.Ltmp9:
0xc6: {  	(pc) =	sbr.rel @p6 .LBB2_12-.Ltmp9, $2  }
0xc7: {  	_ =	sdelay $0x2  }
0xc8: {  	s5 =	sshra.s32 s6, $0x2;
	s6 =	sadd.s32 $0x80, s6  }
0xc9: {  	_ =	sdelay $0x1  }
0xca: {  	v2 =	vld [tilespmem:s5+$0x18700]  }
0xcb: {  	[tilespmem:s4+$0x19700] =	vst v1  }
0xcc: {  	v0 =	vld.idx.msk [tilespmem:v0+s10+$0x0], $0xffff;
	_ =	sdelay $0x3  }
0xcd: {  	v1 =	vld [tilespmem:s5+$0x18710]  }
0xce: {  	[tilespmem:s4+$0x19710] =	vst v0  }
0xcf: {  	v0 =	vld.idx.msk [tilespmem:v2+s10+$0x0], $0xffff;
	_ =	sdelay $0x4  }
0xd0: {  	[tilespmem:s5+$0x19700] =	vst v0  }
0xd1: {  	v0 =	vld.idx.msk [tilespmem:v1+s10+$0x0], $0xffff;
	_ =	sdelay $0x1  }
0xd2: {  	s2 =	sshll.u32 s2, $0xF  }
0xd3: {  	s0 =	sadd.s32 $0x1, s0;
	s2 =	sor.u32 s3, s2  }
0xd4: {  	s6 =	rddreg [dreg:$0x9];
	p6 =	slt.u32 s0, s15;
	s2 =	sshrl.u32 s2, $0x3  }
.Ltmp10:
0xd5: {  	s2 =	sadd.s32 s6, s2;
	[tilespmem:s5+$0x19710] =	vst v0;
	(pc) =	sbr.rel @p6 .LBB2_11-.Ltmp10, $4  }
0xd6: {  	[hbm4b:s2+s11] =	stream.strided.scatter [tilespmem:s18], [sflag:$0x2], $0x1000, s12, s11, $0x38;
	[tilespmem:$0x1A700] =	vst v63  }
0xd7: {  	_ =	swait.ge [sflag:s14], $0x1000  }
0xd8: {  	[sflag:s14] =	ssyncset.done $0x0  }
0xd9: {  	[sflag:s14] =	ssyncadd.s32 $0xFFFFF000  }
.LBB2_14:
0xda: {  	s0 =	simm.s32 @!p2 $0x80  }
0xdb: {  	s2 =	simm.s32 @!p2 $0x400;
	s3 =	simm.s32 @!p2 $0x18700;
	s4 =	rddreg [dreg:$0x15]  }
0xdc: {  	[tilespmem:s3], [sflag:$0x2] =	stream.strided.gather @!p2 [hbm4b:s4+s0], $0x1000, s2, s0, $0x38;
	[tilespmem:$0x1A700] =	vst v63  }
0xdd: {  	s0 =	simm.s32 @!p2 $0x2  }
0xde: {  	_ =	swait.ge @!p2 [sflag:s0], $0x1000  }
0xdf: {  	s6 =	sld [smem:$0x7F8];
	_ =	sdelay $0x2  }
0xe0: {  	p6 =	seq.s32 s6, $0x1  }
.Ltmp11:
0xe1: {  	_ = 	snop;
	(pc) =	sbr.rel @p6 .LBB2_18-.Ltmp11, $3  }
0xe2: {  	_ =	sdelay $0x1  }
0xe3: {  	[sflag:s0] =	ssyncset.done @!p2 $0x0  }
0xe4: {  	[sflag:s0] =	ssyncadd.s32 @!p2 $0xFFFFF000;
	s0 =	rddreg [dreg:$0xd]  }
.LBB2_15:
0xe5: {  	s3 =	sadd.s32 s8, s0  }
0xe6: {  	s2 =	sadd.s32 $0xFFFFFFC0, s3  }
0xe7: {  	s2 =	sshrl.u32 s2, $0x3  }
0xe8: {  	s3 =	sshll.u32 s3, $0x7;
	s4 =	smul.u32 $0xC3800, s2  }
0xe9: {  	s3 =	sand.u32 $0x380, s3  }
0xea: {  	s4 =	sor.u32 s3, s4  }
0xeb: {  	s4 =	sshrl.u32 s4, $0x3  }
0xec: {  	s5 =	simm.s32 $0x0;
	s4 =	sadd.s32 s9, s4  }
0xed: {  	[tilespmem:s5], [sflag:$0x1] =	stream.strided.gather [hbm4b:s4+s11], $0x18700, s12, s11, $0x38;
	[tilespmem:$0x1A700] =	vst v63  }
0xee: {  	_ =	swait.ge [sflag:s16], $0x18700  }
0xef: {  	[sflag:s16] =	ssyncset.done $0x0  }
0xf0: {  	s4 =	simm.s32 $0x0;
	[sflag:s16] =	ssyncadd.s32 $0xFFFE7900  }
0xf1: {  	v1 =	vld [tilespmem:s4+$0x18700];
	_ =	sdelay $0x5  }
0xf2: {  	v0 =	vld [tilespmem:s4+$0x18710];
	_ =	sdelay $0x1  }
0xf3: {  	v1 =	vld.idx.msk [tilespmem:v1+s10+$0x0], $0xffff;
	_ =	sdelay $0x3  }
0xf4: {  	s6 =	simm.s32 $0x100;
	s5 =	simm.s32 $0x20  }
.LBB2_16:
0xf5: {  	p6 =	sne.s32 s6, $0x3F80;
	v2 =	vld [tilespmem:s5+$0x18700];
	[tilespmem:s4+$0x19700] =	vst v1  }
0xf6: {  	v1 =	vld.idx.msk [tilespmem:v0+s10+$0x0], $0xffff;
	_ =	sdelay $0x5  }
0xf7: {  	v0 =	vld [tilespmem:s5+$0x18710];
	[tilespmem:s4+$0x19710] =	vst v1;
	s4 =	smov.u32 s5  }
0xf8: {  	v1 =	vld.idx.msk [tilespmem:v2+s10+$0x0], $0xffff  }
.Ltmp12:
0xf9: {  	(pc) =	sbr.rel @p6 .LBB2_16-.Ltmp12, $2  }
0xfa: {  	_ =	sdelay $0x2  }
0xfb: {  	s5 =	sshra.s32 s6, $0x2;
	s6 =	sadd.s32 $0x80, s6  }
0xfc: {  	_ =	sdelay $0x1  }
0xfd: {  	v2 =	vld [tilespmem:s5+$0x18700]  }
0xfe: {  	[tilespmem:s4+$0x19700] =	vst v1  }
0xff: {  	v0 =	vld.idx.msk [tilespmem:v0+s10+$0x0], $0xffff;
	_ =	sdelay $0x3  }
0x100: {  	v1 =	vld [tilespmem:s5+$0x18710]  }
0x101: {  	[tilespmem:s4+$0x19710] =	vst v0  }
0x102: {  	v0 =	vld.idx.msk [tilespmem:v2+s10+$0x0], $0xffff;
	_ =	sdelay $0x4  }
0x103: {  	[tilespmem:s5+$0x19700] =	vst v0  }
0x104: {  	v0 =	vld.idx.msk [tilespmem:v1+s10+$0x0], $0xffff;
	_ =	sdelay $0x1  }
0x105: {  	s2 =	sshll.u32 s2, $0xF  }
0x106: {  	s0 =	sadd.s32 $0x1, s0;
	s2 =	sor.u32 s3, s2  }
0x107: {  	p6 =	slt.u32 s0, s17;
	s2 =	sshrl.u32 s2, $0x3  }
.Ltmp13:
0x108: {  	s2 =	sadd.s32 s30, s2;
	[tilespmem:s5+$0x19710] =	vst v0;
	(pc) =	sbr.rel @p6 .LBB2_15-.Ltmp13, $4  }
0x109: {  	[hbm4b:s2+s11] =	stream.strided.scatter [tilespmem:s18], [sflag:$0x2], $0x1000, s12, s11, $0x38;
	[tilespmem:$0x1A700] =	vst v63  }
0x10a: {  	_ =	swait.ge [sflag:s14], $0x1000  }
0x10b: {  	[sflag:s14] =	ssyncset.done $0x0  }
0x10c: {  	[sflag:s14] =	ssyncadd.s32 $0xFFFFF000  }
.LBB2_18:
0x10d: {  	s0 =	simm.s32 @!p3 $0x80  }
0x10e: {  	s2 =	simm.s32 @!p3 $0x400;
	s3 =	simm.s32 @!p3 $0x18700;
	s4 =	rddreg [dreg:$0x16]  }
0x10f: {  	[tilespmem:s3], [sflag:$0x2] =	stream.strided.gather @!p3 [hbm4b:s4+s0], $0x1000, s2, s0, $0x38;
	[tilespmem:$0x1A700] =	vst v63  }
0x110: {  	s0 =	simm.s32 @!p3 $0x2  }
0x111: {  	_ =	swait.ge @!p3 [sflag:s0], $0x1000  }
0x112: {  	s6 =	sld [smem:$0x7F9];
	_ =	sdelay $0x2  }
0x113: {  	p6 =	seq.s32 s6, $0x1  }
.Ltmp14:
0x114: {  	_ = 	snop;
	(pc) =	sbr.rel @p6 .LBB2_22-.Ltmp14, $3  }
0x115: {  	_ =	sdelay $0x1  }
0x116: {  	[sflag:s0] =	ssyncset.done @!p3 $0x0  }
0x117: {  	[sflag:s0] =	ssyncadd.s32 @!p3 $0xFFFFF000;
	s0 =	rddreg [dreg:$0xe]  }
.LBB2_19:
0x118: {  	s3 =	sadd.s32 s8, s0  }
0x119: {  	s2 =	sadd.s32 $0xFFFFFFA0, s3  }
0x11a: {  	s2 =	sshrl.u32 s2, $0x3  }
0x11b: {  	s3 =	sshll.u32 s3, $0x7;
	s4 =	smul.u32 $0xC3800, s2  }
0x11c: {  	s3 =	sand.u32 $0x380, s3  }
0x11d: {  	s4 =	sor.u32 s3, s4  }
0x11e: {  	s4 =	sshrl.u32 s4, $0x3  }
0x11f: {  	s5 =	simm.s32 $0x0;
	s4 =	sadd.s32 s24, s4  }
0x120: {  	[tilespmem:s5], [sflag:$0x1] =	stream.strided.gather [hbm4b:s4+s11], $0x18700, s12, s11, $0x38;
	[tilespmem:$0x1A700] =	vst v63  }
0x121: {  	_ =	swait.ge [sflag:s16], $0x18700  }
0x122: {  	[sflag:s16] =	ssyncset.done $0x0  }
0x123: {  	s4 =	simm.s32 $0x0;
	[sflag:s16] =	ssyncadd.s32 $0xFFFE7900  }
0x124: {  	v1 =	vld [tilespmem:s4+$0x18700];
	_ =	sdelay $0x5  }
0x125: {  	v0 =	vld [tilespmem:s4+$0x18710];
	_ =	sdelay $0x1  }
0x126: {  	v1 =	vld.idx.msk [tilespmem:v1+s10+$0x0], $0xffff;
	_ =	sdelay $0x3  }
0x127: {  	s6 =	simm.s32 $0x100;
	s5 =	simm.s32 $0x20  }
.LBB2_20:
0x128: {  	p6 =	sne.s32 s6, $0x3F80;
	v2 =	vld [tilespmem:s5+$0x18700];
	[tilespmem:s4+$0x19700] =	vst v1  }
0x129: {  	v1 =	vld.idx.msk [tilespmem:v0+s10+$0x0], $0xffff;
	_ =	sdelay $0x5  }
0x12a: {  	v0 =	vld [tilespmem:s5+$0x18710];
	[tilespmem:s4+$0x19710] =	vst v1;
	s4 =	smov.u32 s5  }
0x12b: {  	v1 =	vld.idx.msk [tilespmem:v2+s10+$0x0], $0xffff  }
.Ltmp15:
0x12c: {  	(pc) =	sbr.rel @p6 .LBB2_20-.Ltmp15, $2  }
0x12d: {  	_ =	sdelay $0x2  }
0x12e: {  	s5 =	sshra.s32 s6, $0x2;
	s6 =	sadd.s32 $0x80, s6  }
0x12f: {  	_ =	sdelay $0x1  }
0x130: {  	v2 =	vld [tilespmem:s5+$0x18700]  }
0x131: {  	[tilespmem:s4+$0x19700] =	vst v1  }
0x132: {  	v0 =	vld.idx.msk [tilespmem:v0+s10+$0x0], $0xffff;
	_ =	sdelay $0x3  }
0x133: {  	v1 =	vld [tilespmem:s5+$0x18710]  }
0x134: {  	[tilespmem:s4+$0x19710] =	vst v0  }
0x135: {  	v0 =	vld.idx.msk [tilespmem:v2+s10+$0x0], $0xffff;
	_ =	sdelay $0x4  }
0x136: {  	[tilespmem:s5+$0x19700] =	vst v0  }
0x137: {  	v0 =	vld.idx.msk [tilespmem:v1+s10+$0x0], $0xffff;
	_ =	sdelay $0x1  }
0x138: {  	s2 =	sshll.u32 s2, $0xF  }
0x139: {  	s0 =	sadd.s32 $0x1, s0;
	s2 =	sor.u32 s3, s2  }
0x13a: {  	p6 =	slt.u32 s0, s19;
	s2 =	sshrl.u32 s2, $0x3  }
.Ltmp16:
0x13b: {  	s2 =	sadd.s32 s31, s2;
	[tilespmem:s5+$0x19710] =	vst v0;
	(pc) =	sbr.rel @p6 .LBB2_19-.Ltmp16, $4  }
0x13c: {  	[hbm4b:s2+s11] =	stream.strided.scatter [tilespmem:s18], [sflag:$0x2], $0x1000, s12, s11, $0x38;
	[tilespmem:$0x1A700] =	vst v63  }
0x13d: {  	_ =	swait.ge [sflag:s14], $0x1000  }
0x13e: {  	[sflag:s14] =	ssyncset.done $0x0  }
0x13f: {  	[sflag:s14] =	ssyncadd.s32 $0xFFFFF000  }
.LBB2_22:
0x140: {  	s0 =	simm.s32 @!p4 $0x80  }
0x141: {  	s2 =	simm.s32 @!p4 $0x400;
	s3 =	simm.s32 @!p4 $0x18700;
	s4 =	rddreg [dreg:$0x17]  }
0x142: {  	[tilespmem:s3], [sflag:$0x2] =	stream.strided.gather @!p4 [hbm4b:s4+s0], $0x1000, s2, s0, $0x38;
	[tilespmem:$0x1A700] =	vst v63  }
0x143: {  	s0 =	simm.s32 @!p4 $0x2  }
0x144: {  	_ =	swait.ge @!p4 [sflag:s0], $0x1000  }
0x145: {  	s6 =	sld [smem:$0x7FB];
	_ =	sdelay $0x2  }
0x146: {  	p6 =	seq.s32 s6, $0x1  }
.Ltmp17:
0x147: {  	_ = 	snop;
	(pc) =	sbr.rel @p6 .LBB2_26-.Ltmp17, $4  }
0x148: {  	_ = 	snop  }
0x149: {  	[sflag:s0] =	ssyncset.done @!p4 $0x0  }
0x14a: {  	[sflag:s0] =	ssyncadd.s32 @!p4 $0xFFFFF000;
	s0 =	rddreg [dreg:$0xf]  }
0x14b: {  	s24 =	rddreg [dreg:$0x6]  }
.LBB2_23:
0x14c: {  	s3 =	sadd.s32 s8, s0  }
0x14d: {  	s2 =	sadd.s32 $0xFFFFFF80, s3  }
0x14e: {  	s2 =	sshrl.u32 s2, $0x3  }
0x14f: {  	s3 =	sshll.u32 s3, $0x7;
	s4 =	smul.u32 $0xC3800, s2  }
0x150: {  	s3 =	sand.u32 $0x380, s3  }
0x151: {  	s4 =	sor.u32 s3, s4  }
0x152: {  	s4 =	sshrl.u32 s4, $0x3  }
0x153: {  	s5 =	simm.s32 $0x0;
	s4 =	sadd.s32 s24, s4  }
0x154: {  	[tilespmem:s5], [sflag:$0x1] =	stream.strided.gather [hbm4b:s4+s11], $0x18700, s12, s11, $0x38;
	[tilespmem:$0x1A700] =	vst v63  }
0x155: {  	_ =	swait.ge [sflag:s16], $0x18700  }
0x156: {  	[sflag:s16] =	ssyncset.done $0x0  }
0x157: {  	s4 =	simm.s32 $0x0;
	[sflag:s16] =	ssyncadd.s32 $0xFFFE7900  }
0x158: {  	v1 =	vld [tilespmem:s4+$0x18700];
	_ =	sdelay $0x5  }
0x159: {  	v0 =	vld [tilespmem:s4+$0x18710];
	_ =	sdelay $0x1  }
0x15a: {  	v1 =	vld.idx.msk [tilespmem:v1+s10+$0x0], $0xffff;
	_ =	sdelay $0x3  }
0x15b: {  	s6 =	simm.s32 $0x100;
	s5 =	simm.s32 $0x20  }
.LBB2_24:
0x15c: {  	p6 =	sne.s32 s6, $0x3F80;
	v2 =	vld [tilespmem:s5+$0x18700];
	[tilespmem:s4+$0x19700] =	vst v1  }
0x15d: {  	v1 =	vld.idx.msk [tilespmem:v0+s10+$0x0], $0xffff;
	_ =	sdelay $0x5  }
0x15e: {  	v0 =	vld [tilespmem:s5+$0x18710];
	[tilespmem:s4+$0x19710] =	vst v1;
	s4 =	smov.u32 s5  }
0x15f: {  	v1 =	vld.idx.msk [tilespmem:v2+s10+$0x0], $0xffff  }
.Ltmp18:
0x160: {  	(pc) =	sbr.rel @p6 .LBB2_24-.Ltmp18, $2  }
0x161: {  	_ =	sdelay $0x2  }
0x162: {  	s5 =	sshra.s32 s6, $0x2;
	s6 =	sadd.s32 $0x80, s6  }
0x163: {  	_ =	sdelay $0x1  }
0x164: {  	v2 =	vld [tilespmem:s5+$0x18700]  }
0x165: {  	[tilespmem:s4+$0x19700] =	vst v1  }
0x166: {  	v0 =	vld.idx.msk [tilespmem:v0+s10+$0x0], $0xffff;
	_ =	sdelay $0x3  }
0x167: {  	v1 =	vld [tilespmem:s5+$0x18710]  }
0x168: {  	[tilespmem:s4+$0x19710] =	vst v0  }
0x169: {  	v0 =	vld.idx.msk [tilespmem:v2+s10+$0x0], $0xffff;
	_ =	sdelay $0x4  }
0x16a: {  	[tilespmem:s5+$0x19700] =	vst v0  }
0x16b: {  	v0 =	vld.idx.msk [tilespmem:v1+s10+$0x0], $0xffff;
	_ =	sdelay $0x1  }
0x16c: {  	s2 =	sshll.u32 s2, $0xF  }
0x16d: {  	s0 =	sadd.s32 $0x1, s0;
	s2 =	sor.u32 s3, s2  }
0x16e: {  	p6 =	slt.u32 s0, s21;
	s2 =	sshrl.u32 s2, $0x3  }
.Ltmp19:
0x16f: {  	s2 =	sadd.s32 s22, s2;
	[tilespmem:s5+$0x19710] =	vst v0;
	(pc) =	sbr.rel @p6 .LBB2_23-.Ltmp19, $4  }
0x170: {  	[hbm4b:s2+s11] =	stream.strided.scatter [tilespmem:s18], [sflag:$0x2], $0x1000, s12, s11, $0x38;
	[tilespmem:$0x1A700] =	vst v63  }
0x171: {  	_ =	swait.ge [sflag:s14], $0x1000  }
0x172: {  	[sflag:s14] =	ssyncset.done $0x0  }
0x173: {  	[sflag:s14] =	ssyncadd.s32 $0xFFFFF000  }
.LBB2_26:
0x174: {  	s0 =	simm.s32 @!p5 $0x80  }
0x175: {  	s2 =	simm.s32 @!p5 $0x400;
	s3 =	simm.s32 @!p5 $0x18700;
	s4 =	rddreg [dreg:$0x18]  }
0x176: {  	[tilespmem:s3], [sflag:$0x2] =	stream.strided.gather @!p5 [hbm4b:s4+s0], $0x1000, s2, s0, $0x38;
	[tilespmem:$0x1A700] =	vst v63  }
0x177: {  	s0 =	simm.s32 @!p5 $0x2  }
0x178: {  	_ =	swait.ge @!p5 [sflag:s0], $0x1000  }
0x179: {  	s6 =	sld [smem:$0x7FD];
	_ =	sdelay $0x2  }
0x17a: {  	p6 =	seq.s32 s6, $0x1  }
.Ltmp20:
0x17b: {  	_ = 	snop;
	(pc) =	sbr.rel @p6 .LBB2_30-.Ltmp20, $4  }
0x17c: {  	_ = 	snop  }
0x17d: {  	[sflag:s0] =	ssyncset.done @!p5 $0x0  }
0x17e: {  	[sflag:s0] =	ssyncadd.s32 @!p5 $0xFFFFF000;
	s0 =	rddreg [dreg:$0x10]  }
0x17f: {  	s24 =	rddreg [dreg:$0x7]  }
.LBB2_27:
0x180: {  	s3 =	sadd.s32 s8, s0  }
0x181: {  	s2 =	sadd.s32 $0xFFFFFF60, s3  }
0x182: {  	s2 =	sshrl.u32 s2, $0x3  }
0x183: {  	s3 =	sshll.u32 s3, $0x7;
	s4 =	smul.u32 $0xC3800, s2  }
0x184: {  	s3 =	sand.u32 $0x380, s3  }
0x185: {  	s4 =	sor.u32 s3, s4  }
0x186: {  	s4 =	sshrl.u32 s4, $0x3  }
0x187: {  	s5 =	simm.s32 $0x0;
	s4 =	sadd.s32 s24, s4  }
0x188: {  	[tilespmem:s5], [sflag:$0x1] =	stream.strided.gather [hbm4b:s4+s11], $0x18700, s12, s11, $0x38;
	[tilespmem:$0x1A700] =	vst v63  }
0x189: {  	_ =	swait.ge [sflag:s16], $0x18700  }
0x18a: {  	[sflag:s16] =	ssyncset.done $0x0  }
0x18b: {  	s4 =	simm.s32 $0x0;
	[sflag:s16] =	ssyncadd.s32 $0xFFFE7900  }
0x18c: {  	v1 =	vld [tilespmem:s4+$0x18700];
	_ =	sdelay $0x5  }
0x18d: {  	v0 =	vld [tilespmem:s4+$0x18710];
	_ =	sdelay $0x1  }
0x18e: {  	v1 =	vld.idx.msk [tilespmem:v1+s10+$0x0], $0xffff;
	_ =	sdelay $0x3  }
0x18f: {  	s6 =	simm.s32 $0x100;
	s5 =	simm.s32 $0x20  }
.LBB2_28:
0x190: {  	p6 =	sne.s32 s6, $0x3F80;
	v2 =	vld [tilespmem:s5+$0x18700];
	[tilespmem:s4+$0x19700] =	vst v1  }
0x191: {  	v1 =	vld.idx.msk [tilespmem:v0+s10+$0x0], $0xffff;
	_ =	sdelay $0x5  }
0x192: {  	v0 =	vld [tilespmem:s5+$0x18710];
	[tilespmem:s4+$0x19710] =	vst v1;
	s4 =	smov.u32 s5  }
0x193: {  	v1 =	vld.idx.msk [tilespmem:v2+s10+$0x0], $0xffff  }
.Ltmp21:
0x194: {  	(pc) =	sbr.rel @p6 .LBB2_28-.Ltmp21, $2  }
0x195: {  	_ =	sdelay $0x2  }
0x196: {  	s5 =	sshra.s32 s6, $0x2;
	s6 =	sadd.s32 $0x80, s6  }
0x197: {  	_ =	sdelay $0x1  }
0x198: {  	v2 =	vld [tilespmem:s5+$0x18700]  }
0x199: {  	[tilespmem:s4+$0x19700] =	vst v1  }
0x19a: {  	v0 =	vld.idx.msk [tilespmem:v0+s10+$0x0], $0xffff;
	_ =	sdelay $0x3  }
0x19b: {  	v1 =	vld [tilespmem:s5+$0x18710]  }
0x19c: {  	[tilespmem:s4+$0x19710] =	vst v0  }
0x19d: {  	v0 =	vld.idx.msk [tilespmem:v2+s10+$0x0], $0xffff;
	_ =	sdelay $0x4  }
0x19e: {  	[tilespmem:s5+$0x19700] =	vst v0  }
0x19f: {  	v0 =	vld.idx.msk [tilespmem:v1+s10+$0x0], $0xffff;
	_ =	sdelay $0x1  }
0x1a0: {  	s2 =	sshll.u32 s2, $0xF  }
0x1a1: {  	s0 =	sadd.s32 $0x1, s0;
	s2 =	sor.u32 s3, s2  }
0x1a2: {  	p6 =	slt.u32 s0, s25;
	s2 =	sshrl.u32 s2, $0x3  }
.Ltmp22:
0x1a3: {  	s2 =	sadd.s32 s1, s2;
	[tilespmem:s5+$0x19710] =	vst v0;
	(pc) =	sbr.rel @p6 .LBB2_27-.Ltmp22, $4  }
0x1a4: {  	[hbm4b:s2+s11] =	stream.strided.scatter [tilespmem:s18], [sflag:$0x2], $0x1000, s12, s11, $0x38;
	[tilespmem:$0x1A700] =	vst v63  }
0x1a5: {  	_ =	swait.ge [sflag:s14], $0x1000  }
0x1a6: {  	[sflag:s14] =	ssyncset.done $0x0  }
0x1a7: {  	[sflag:s14] =	ssyncadd.s32 $0xFFFFF000  }
.LBB2_30:
0x1a8: {  	s0 =	sld [smem:$0x7F1];
	_ =	sdelay $0x2  }
0x1a9: {  	p6 =	seq.s32 s0, $0x1  }
.Ltmp23:
0x1aa: {  	_ = 	snop;
	(pc) =	sbr.rel @p6 .LBB2_35-.Ltmp23, $2  }
0x1ab: {  	_ =	sdelay $0x2  }
0x1ac: {  	s24 =	rddreg [dreg:$0x8]  }
0x1ad: {  	s0 =	rddreg [dreg:$0x19];
	s2 =	simm.s32 $0x18700  }
0x1ae: {  	[tilespmem:s2], [sflag:$0x2] =	stream.strided.gather [hbm4b:s0+s11], $0x1000, s12, s11, $0x38;
	[tilespmem:$0x1A700] =	vst v63  }
0x1af: {  	_ =	swait.ge [sflag:s14], $0x1000  }
0x1b0: {  	[sflag:s14] =	ssyncset.done $0x0  }
0x1b1: {  	s0 =	rddreg [dreg:$0x11];
	[sflag:s14] =	ssyncadd.s32 $0xFFFFF000  }
.LBB2_32:
0x1b2: {  	s3 =	sadd.s32 s8, s0  }
0x1b3: {  	s2 =	sadd.s32 $0xFFFFFF40, s3  }
0x1b4: {  	s2 =	sshrl.u32 s2, $0x3  }
0x1b5: {  	s3 =	sshll.u32 s3, $0x7;
	s4 =	smul.u32 $0xC3800, s2  }
0x1b6: {  	s3 =	sand.u32 $0x380, s3  }
0x1b7: {  	s4 =	sor.u32 s3, s4  }
0x1b8: {  	s4 =	sshrl.u32 s4, $0x3  }
0x1b9: {  	s5 =	simm.s32 $0x0;
	s4 =	sadd.s32 s24, s4  }
0x1ba: {  	[tilespmem:s5], [sflag:$0x1] =	stream.strided.gather [hbm4b:s4+s11], $0x18700, s12, s11, $0x38;
	[tilespmem:$0x1A700] =	vst v63  }
0x1bb: {  	_ =	swait.ge [sflag:s16], $0x18700  }
0x1bc: {  	[sflag:s16] =	ssyncset.done $0x0  }
0x1bd: {  	s4 =	simm.s32 $0x0;
	[sflag:s16] =	ssyncadd.s32 $0xFFFE7900  }
0x1be: {  	v1 =	vld [tilespmem:s4+$0x18700];
	_ =	sdelay $0x5  }
0x1bf: {  	v0 =	vld [tilespmem:s4+$0x18710];
	_ =	sdelay $0x1  }
0x1c0: {  	v1 =	vld.idx.msk [tilespmem:v1+s10+$0x0], $0xffff;
	_ =	sdelay $0x3  }
0x1c1: {  	s6 =	simm.s32 $0x100;
	s5 =	simm.s32 $0x20  }
.LBB2_33:
0x1c2: {  	p6 =	sne.s32 s6, $0x3F80;
	v2 =	vld [tilespmem:s5+$0x18700];
	[tilespmem:s4+$0x19700] =	vst v1  }
0x1c3: {  	v1 =	vld.idx.msk [tilespmem:v0+s10+$0x0], $0xffff;
	_ =	sdelay $0x5  }
0x1c4: {  	v0 =	vld [tilespmem:s5+$0x18710];
	[tilespmem:s4+$0x19710] =	vst v1;
	s4 =	smov.u32 s5  }
0x1c5: {  	v1 =	vld.idx.msk [tilespmem:v2+s10+$0x0], $0xffff  }
.Ltmp24:
0x1c6: {  	(pc) =	sbr.rel @p6 .LBB2_33-.Ltmp24, $2  }
0x1c7: {  	_ =	sdelay $0x2  }
0x1c8: {  	s5 =	sshra.s32 s6, $0x2;
	s6 =	sadd.s32 $0x80, s6  }
0x1c9: {  	_ =	sdelay $0x1  }
0x1ca: {  	v2 =	vld [tilespmem:s5+$0x18700]  }
0x1cb: {  	[tilespmem:s4+$0x19700] =	vst v1  }
0x1cc: {  	v0 =	vld.idx.msk [tilespmem:v0+s10+$0x0], $0xffff;
	_ =	sdelay $0x3  }
0x1cd: {  	v1 =	vld [tilespmem:s5+$0x18710]  }
0x1ce: {  	[tilespmem:s4+$0x19710] =	vst v0  }
0x1cf: {  	v0 =	vld.idx.msk [tilespmem:v2+s10+$0x0], $0xffff;
	_ =	sdelay $0x4  }
0x1d0: {  	[tilespmem:s5+$0x19700] =	vst v0  }
0x1d1: {  	v0 =	vld.idx.msk [tilespmem:v1+s10+$0x0], $0xffff;
	_ =	sdelay $0x1  }
0x1d2: {  	s2 =	sshll.u32 s2, $0xF  }
0x1d3: {  	s2 =	sor.u32 s3, s2  }
0x1d4: {  	s2 =	sshrl.u32 s2, $0x3  }
0x1d5: {  	p6 =	slt.u32 s0, $0x6;
	s2 =	sadd.s32 s26, s2;
	[tilespmem:s5+$0x19710] =	vst v0  }
0x1d6: {  	[hbm4b:s2+s11] =	stream.strided.scatter [tilespmem:s18], [sflag:$0x2], $0x1000, s12, s11, $0x38;
	[tilespmem:$0x1A700] =	vst v63  }
.Ltmp25:
0x1d7: {  	_ = 	snop;
	(pc) =	sbr.rel @p6 .LBB2_32-.Ltmp25, $4  }
.Ltmp26:
0x1d8: {  	_ = 	snop;
	(pc) =	sbr.rel @!p6 .LBB2_35-.Ltmp26, $4  }
0x1d9: {  	_ =	swait.ge [sflag:s14], $0x1000  }
0x1da: {  	s6 =	sadd.s32 $0x1, s0;
	[sflag:s14] =	ssyncset.done $0x0  }
0x1db: {  	s0 =	smov.u32 s6;
	[sflag:s14] =	ssyncadd.s32 $0xFFFFF000  }
0x1dc: {  	_ = 	snop  }
.LBB2_36:
0x1dd: {  	_ =	sfence.sel $0x180000  }
0x1de: {  	[bflag:$0x0] =	sbarrier.arrive $0xFFFF  }
0x1df: {  	_ =	strace $0x90000047  }
0x1e0: {  	s0 =	stileid.u32;
	[bflag:$0x2] =	sbarrier.arrive $0xFFFF  }
0x1e1: {  	p0 =	sne.s32 s0, $0x0;
	s0 =	rddreg [dreg:$0xa]  }
0x1e2: {  	s0 =	sadd.s32 @!p0 $0x100000, s0  }
0x1e3: {  	[sflag:s0] =	ssyncadd.tile.s32 @!p0 $0x1;
	_ =	shalt  }
.Lfunc_end2:
_tile_overlayer_lowered:
.L_overlay_start_2:
0x1e4: {  	(tag) =	ssettag $0x2  }
0x1e5: {  	s0 =	rddreg [dreg:$0x0];
	s2 =	stileid.u32  }
0x1e6: {  	s1 =	rddreg [dreg:$0x1];
	p0 =	sne.s32 s2, $0x0  }
0x1e7: {  	s3 =	rddreg [dreg:$0x2];
	[bflag:$0x3] =	sbarrier.arrive $0xFFFF;
	s2 =	simm.s32 @!p0 $0x1C02  }
0x1e8: {  	[timem:s3], [sflag:s2] =	dma.local @!p0 [hbm:s0], s1  }
0x1e9: {  	s0 =	simm.s32 @!p0 $0x2  }
0x1ea: {  	_ =	swait.ge @!p0 [sflag:s0], s1  }
0x1eb: {  	s1 =	ssub.s32 @!p0 $0x0, s1;
	[sflag:s0] =	ssyncset.done @!p0 $0x0  }
0x1ec: {  	[sflag:s0] =	ssyncadd.s32 @!p0 s1  }
0x1ed: {  	[bflag:$0x3] =	sbarrier.arrive $0xFFFF  }
0x1ee: {  	_ =	shalt  }

</sc_bundles>
